<compile_context>
chip_gen: v7x
topology: tpu7x:2x2x1
jax: 0.10.2.dev20260603
libtpu: 0.0.44.dev20260713+nightly
codegen_flags: <defaults>
</compile_context>

<pallas_src>
import functools

import jax
import jax.numpy as jnp
from jax import lax
from jax.experimental import pallas as pl
from jax.experimental.pallas import tpu as pltpu
from jax.experimental.pallas import tpu_sc as plsc

_S = 512
_KNN = 32


def _fps_body(xyz_ref, far0_ref, idx_ref, nxyz_ref):
    X = xyz_ref[:, 0, :]
    Y = xyz_ref[:, 1, :]
    Z = xyz_ref[:, 2, :]
    B, N = X.shape
    iota_n = lax.broadcasted_iota(jnp.int32, (B, N), 1)
    iota_s = lax.broadcasted_iota(jnp.int32, (B, _S), 1)

    def body(i, st):
        dist, far, idx_acc, cx_acc, cy_acc, cz_acc = st
        sel = iota_n == far
        cx = jnp.sum(jnp.where(sel, X, 0.0), axis=1, keepdims=True)
        cy = jnp.sum(jnp.where(sel, Y, 0.0), axis=1, keepdims=True)
        cz = jnp.sum(jnp.where(sel, Z, 0.0), axis=1, keepdims=True)
        col = iota_s == i
        idx_acc = jnp.where(col, far, idx_acc)
        cx_acc = jnp.where(col, cx, cx_acc)
        cy_acc = jnp.where(col, cy, cy_acc)
        cz_acc = jnp.where(col, cz, cz_acc)
        dx = X - cx
        dy = Y - cy
        dz = Z - cz
        d = (dx * dx + dy * dy) + dz * dz
        dist = jnp.minimum(dist, d)
        m = jnp.max(dist, axis=1, keepdims=True)
        far = jnp.min(jnp.where(dist == m, iota_n, N), axis=1, keepdims=True)
        far = far.astype(jnp.int32)
        return (dist, far, idx_acc, cx_acc, cy_acc, cz_acc)

    dist0 = jnp.full((B, N), 1e10, dtype=jnp.float32)
    far0 = far0_ref[...]
    zero_s = jnp.zeros((B, _S), dtype=jnp.float32)
    izero_s = jnp.zeros((B, _S), dtype=jnp.int32)
    _, _, idx_acc, cx_acc, cy_acc, cz_acc = lax.fori_loop(
        0, _S, body, (dist0, far0, izero_s, zero_s, zero_s, zero_s)
    )
    idx_ref[...] = idx_acc
    nxyz_ref[:, 0, :] = cx_acc
    nxyz_ref[:, 1, :] = cy_acc
    nxyz_ref[:, 2, :] = cz_acc


def _fps(xyz, far0):
    B, _, N = xyz.shape
    return pl.pallas_call(
        _fps_body,
        out_shape=(
            jax.ShapeDtypeStruct((B, _S), jnp.int32),
            jax.ShapeDtypeStruct((B, 3, _S), jnp.float32),
        ),
    )(xyz, far0)


def _dist_body(nxyz_ref, xyz_ref, d_ref, tau_ref):
    a3 = nxyz_ref[0]
    xb = xyz_ref[0]
    R = a3.shape[1]
    N = xb.shape[1]
    inner = lax.dot_general(
        a3, xb, (((0,), (0,)), ((), ())), preferred_element_type=jnp.float32
    )
    sq_a = (a3[0] * a3[0] + a3[1] * a3[1]) + a3[2] * a3[2]
    sq_b = (xb[0] * xb[0] + xb[1] * xb[1]) + xb[2] * xb[2]
    d2 = (sq_a[:, None] + sq_b[None, :]) - 2.0 * inner
    d = jnp.sqrt(jnp.maximum(d2, 0.0))
    d_ref[0] = d

    CH = 128
    NCH = N // CH
    iota_c = lax.broadcasted_iota(jnp.int32, (R, NCH), 1)
    inf = jnp.float32(jnp.inf)
    M = jnp.full((R, NCH), inf, jnp.float32)
    for c in range(NCH):
        mc = jnp.min(d[:, c * CH:(c + 1) * CH], axis=1, keepdims=True)
        M = jnp.where(iota_c == c, mc, M)

    def body(r, st):
        M_cur, _tau = st
        m = jnp.min(M_cur, axis=1, keepdims=True)
        p = jnp.min(jnp.where(M_cur == m, iota_c, NCH), axis=1, keepdims=True)
        M_cur = jnp.where(iota_c == p, inf, M_cur)
        return (M_cur, m)

    _, tau = lax.fori_loop(0, _KNN, body, (M, jnp.zeros((R, 1), jnp.float32)))
    tau_ref[0] = tau


def _dist(new_xyz, xyz):
    B, _, N = xyz.shape
    R = 128
    grid = (B, _S // R)
    return pl.pallas_call(
        _dist_body,
        grid=grid,
        in_specs=[
            pl.BlockSpec((1, 3, R), lambda b, s: (b, 0, s)),
            pl.BlockSpec((1, 3, N), lambda b, s: (b, 0, 0)),
        ],
        out_specs=[
            pl.BlockSpec((1, R, N), lambda b, s: (b, s, 0)),
            pl.BlockSpec((1, R, 1), lambda b, s: (b, s, 0)),
        ],
        out_shape=[
            jax.ShapeDtypeStruct((B, _S, N), jnp.float32),
            jax.ShapeDtypeStruct((B, _S, 1), jnp.float32),
        ],
    )(new_xyz, xyz)


def _splat_i32(x):
    return jnp.full((16,), 1, jnp.int32) * x


def _select_sc(d_all, tau):
    BS, N = d_all.shape
    NW = 32
    RW = BS // NW
    NV = N // 16
    inf = jnp.float32(jnp.inf)
    mesh = plsc.VectorSubcoreMesh(core_axis_name="c", subcore_axis_name="s")

    @functools.partial(
        pl.kernel,
        mesh=mesh,
        compiler_params=pltpu.CompilerParams(needs_layout_passes=False),
        out_type=jax.ShapeDtypeStruct((BS, _KNN), jnp.int32),
        scratch_types=[
            pltpu.VMEM((N,), jnp.float32),
            pltpu.VMEM((N + 16,), jnp.float32),
            pltpu.VMEM((N + 16,), jnp.int32),
            pltpu.VMEM((RW + 16,), jnp.float32),
            pltpu.VMEM((RW, _KNN), jnp.int32),
        ],
    )
    def k(d_hbm, tau_hbm, out_hbm, d_row, cand_v, cand_i, tau_v, out_rows):
        cid = lax.axis_index("c")
        sid = lax.axis_index("s")
        w = sid * 2 + cid
        base_row = w * RW
        pltpu.sync_copy(tau_hbm.at[pl.ds(base_row, RW)], tau_v.at[pl.ds(0, RW)])
        iota16 = lax.iota(jnp.int32, 16)

        def row_body(r, carry):
            pltpu.sync_copy(d_hbm.at[base_row + r], d_row)
            tval = tau_v[pl.ds(r, 16)][0]
            tvec = jnp.full((16,), tval, jnp.float32)

            def scan_body(i, off):
                v = d_row[pl.ds(i * 16, 16)]
                msk = v <= tvec
                plsc.store_compressed(cand_v.at[pl.ds(off, 16)], v, mask=msk)
                iv = iota16 + _splat_i32(i * 16)
                plsc.store_compressed(cand_i.at[pl.ds(off, 16)], iv, mask=msk)
                return off + jnp.sum(msk.astype(jnp.int32))

            C = lax.fori_loop(0, NV, scan_body, jnp.int32(0))
            nvec = (C + 15) // 16
            c_splat = _splat_i32(C)
            big = _splat_i32(jnp.int32(1 << 30))

            def round_body(r2, carry2):
                acc_lo, acc_hi = carry2

                def sel_body(tv, st):
                    av, ai, ap = st
                    b16 = tv * 16
                    pos = iota16 + _splat_i32(b16)
                    v = cand_v[pl.ds(b16, 16)]
                    vi = cand_i[pl.ds(b16, 16)]
                    v = jnp.where(pos < c_splat, v, inf)
                    upd = v < av
                    av = jnp.where(upd, v, av)
                    ai = jnp.where(upd, vi, ai)
                    ap = jnp.where(upd, pos, ap)
                    return (av, ai, ap)

                av0 = jnp.full((16,), inf, jnp.float32)
                az = jnp.zeros((16,), jnp.int32)
                av, ai, ap = lax.fori_loop(0, nvec, sel_body, (av0, az, az))
                m = jnp.min(av)
                tie = av == jnp.full((16,), m, jnp.float32)
                idxsel = jnp.min(jnp.where(tie, ai, big))
                psel = jnp.min(
                    jnp.where(tie & (ai == _splat_i32(idxsel)), ap, big)
                )
                isel_spl = _splat_i32(idxsel)
                acc_lo = jnp.where(iota16 == _splat_i32(r2), isel_spl, acc_lo)
                acc_hi = jnp.where(
                    iota16 == _splat_i32(r2 - 16), isel_spl, acc_hi
                )
                vbase = (psel // 16) * 16
                vec = cand_v[pl.ds(vbase, 16)]
                vec = jnp.where(
                    iota16 + _splat_i32(vbase) == _splat_i32(psel), inf, vec
                )
                cand_v[pl.ds(vbase, 16)] = vec
                return (acc_lo, acc_hi)

            az0 = jnp.zeros((16,), jnp.int32)
            acc_lo, acc_hi = lax.fori_loop(0, _KNN, round_body, (az0, az0))
            out_rows[r, pl.ds(0, 16)] = acc_lo
            out_rows[r, pl.ds(16, 16)] = acc_hi
            return carry

        lax.fori_loop(0, RW, row_body, 0)
        pltpu.sync_copy(out_rows, out_hbm.at[pl.ds(base_row, RW)])

    return k(d_all, tau)


def _gather_sc(comb, knn_flat, cen):
    B, C, N = comb.shape
    SK = _S * _KNN
    mesh = plsc.VectorSubcoreMesh(core_axis_name="c", subcore_axis_name="s")

    @functools.partial(
        pl.kernel,
        mesh=mesh,
        compiler_params=pltpu.CompilerParams(needs_layout_passes=False),
        out_type=jax.ShapeDtypeStruct((B, C, SK), jnp.float32),
        scratch_types=[
            pltpu.VMEM((SK,), jnp.int32),
            pltpu.VMEM((N,), jnp.float32),
            pltpu.VMEM((SK,), jnp.float32),
            pltpu.VMEM((SK,), jnp.float32),
        ],
    )
    def k(comb_hbm, knn_hbm, cen_hbm, out_hbm, idx_v, tab_v, out_v, cen_v):
        cid = lax.axis_index("c")
        sid = lax.axis_index("s")
        w = sid * 2 + cid
        b = w % B
        r = w // B
        pltpu.sync_copy(knn_hbm.at[b], idx_v)

        def chan_body(j, carry):
            c = r + 4 * j

            @pl.when(c < C)
            def _():
                pltpu.sync_copy(comb_hbm.at[b, c], tab_v)

                @pl.when(c < C - 3)
                def _():
                    def g_body(t, carry2):
                        iv = idx_v[pl.ds(t * 16, 16)]
                        out_v[pl.ds(t * 16, 16)] = plsc.load_gather(tab_v, [iv])
                        return carry2

                    lax.fori_loop(0, SK // 16, g_body, 0)

                @pl.when(c >= C - 3)
                def _():
                    pltpu.sync_copy(cen_hbm.at[b, c - (C - 3)], cen_v)

                    def g_body(t, carry2):
                        sl = pl.ds(t * 16, 16)
                        iv = idx_v[sl]
                        out_v[sl] = plsc.load_gather(tab_v, [iv]) - cen_v[sl]
                        return carry2

                    lax.fori_loop(0, SK // 16, g_body, 0)

                pltpu.sync_copy(out_v, out_hbm.at[b, c])

            return carry

        lax.fori_loop(0, (C + 3) // 4, chan_body, 0)

    return k(comb, knn_flat, cen)


def kernel(xyz, features):
    B, _, N = xyz.shape
    far0 = jax.random.randint(jax.random.key(1), (B,), 0, N)
    far0 = far0.astype(jnp.int32).reshape(B, 1)

    sample_idx, new_xyz = _fps(xyz, far0)
    d_all, tau = _dist(new_xyz, xyz)
    knn_rows = _select_sc(
        d_all.reshape(B * _S, N), tau.reshape(B * _S)
    )

    comb = jnp.concatenate([features, xyz], axis=1)
    cen = jnp.broadcast_to(
        new_xyz[:, :, :, None], (B, 3, _S, _KNN)
    ).reshape(B, 3, _S * _KNN)
    knn_flat = knn_rows.reshape(B, _S * _KNN)

    nf = _gather_sc(comb, knn_flat, cen).reshape(B, 67, _S, _KNN)
    return (new_xyz, nf)

# --- scband reference (transcript-rebuilt; emitter-appended) ---
"""Pipeline reference for scband-local-grouper-71760313581928 (READ-ONLY COPY).

The authoritative reference and input builder live on the scoring server;
editing this copy changes nothing except your own understanding.
"""

import jax, jax.numpy as jnp
import numpy as np

GROUPS = 512
K = 32


def farthest_point_sample(xyz_t, npoint, key):
    # xyz_t: [B, N, 3]
    B, N, C = xyz_t.shape
    farthest0 = jax.random.randint(key, (B,), 0, N)
    centroids0 = jnp.zeros((B, npoint), dtype=jnp.int32)
    distance0 = jnp.full((B, N), 1e10, dtype=jnp.float32)

    def body(i, state):
        centroids, distance, farthest = state
        centroids = centroids.at[:, i].set(farthest.astype(jnp.int32))
        centroid = xyz_t[jnp.arange(B), farthest, :][:, None, :]
        dist = jnp.sum((xyz_t - centroid) ** 2, axis=-1)
        distance = jnp.minimum(distance, dist)
        farthest = jnp.argmax(distance, axis=-1)
        return (centroids, distance, farthest)

    centroids, _, _ = jax.lax.fori_loop(0, npoint, body, (centroids0, distance0, farthest0))
    return centroids


def setup_inputs(seed: int = 0) -> dict:
    key = jax.random.key(seed)
    k1, k2 = jax.random.split(key)
    xyz = jax.random.normal(k1, (8, 3, 8192), dtype=jnp.float32)
    features = jax.random.normal(k2, (8, 64, 8192), dtype=jnp.float32)
    return {"xyz": xyz, "features": features}


def reference(xyz, features):
    B, _, N = xyz.shape
    S = GROUPS
    k = K
    xyz_t = jnp.transpose(xyz, (0, 2, 1))  # [B, N, 3]

    # FPS sampling (index computation, no grad path)
    fps_key = jax.random.key(1)
    sample_idx = farthest_point_sample(jax.lax.stop_gradient(xyz_t), S, fps_key)
    sample_idx = jnp.clip(sample_idx, 0, N - 1)

    bidx1 = jnp.arange(B)[:, None]
    new_xyz_t = xyz_t[bidx1, sample_idx]               # [B, S, 3]
    new_xyz = jnp.transpose(new_xyz_t, (0, 2, 1))      # [B, 3, S]

    # cdist (torch computes this under no_grad)
    a = jax.lax.stop_gradient(new_xyz_t)
    b = jax.lax.stop_gradient(xyz_t)
    sq_a = jnp.sum(a ** 2, axis=-1, keepdims=True)     # [B, S, 1]
    sq_b = jnp.sum(b ** 2, axis=-1)[:, None, :]        # [B, 1, N]
    inner = jnp.einsum('bsc,bnc->bsn', a, b)
    dists = jnp.sqrt(jnp.maximum(sq_a + sq_b - 2.0 * inner, 0.0))
    _, knn_idx = jax.lax.top_k(-dists, k)              # smallest-k -> [B, S, k]

    bidx = jnp.arange(B)[:, None, None]
    xyz_gathered = xyz_t[bidx, knn_idx]                # [B, S, k, 3]
    grouped_xyz = jnp.transpose(xyz_gathered, (0, 3, 1, 2))   # [B, 3, S, k]

    features_t = jnp.transpose(features, (0, 2, 1))    # [B, N, D]
    features_gathered = features_t[bidx, knn_idx]      # [B, S, k, D]
    grouped_features = jnp.transpose(features_gathered, (0, 3, 1, 2))  # [B, D, S, k]

    # use_xyz=True, normalize='center': subtract centroid from the xyz channels
    grouped_xyz = grouped_xyz - new_xyz[:, :, :, None]
    new_features = jnp.concatenate([grouped_features, grouped_xyz], axis=1)  # [B, D+3, S, k]
    return (new_xyz, new_features)

if __name__ == "__main__":
    import jax
    _d = setup_inputs()
    print(jax.jit(kernel)(*tuple(_d.values())))

</pallas_src>

<mosaic_0001>
#map = affine_map<(d0, d1) -> (0, 0, 0)>
#map1 = affine_map<(d0, d1) -> (0, 0)>
module attributes {stable_mosaic.version = 14 : i64} {
  func.func @k(%arg0: i32, %arg1: i32, %arg2: memref<8x67x8192xf32, #tpu.memory_space<hbm>>, %arg3: memref<8x16384xi32, #tpu.memory_space<hbm>>, %arg4: memref<8x3x16384xf32, #tpu.memory_space<hbm>>, %arg5: memref<8x67x16384xf32, #tpu.memory_space<hbm>>, %arg6: memref<16384xi32, #tpu.memory_space<vmem>>, %arg7: memref<8192xf32, #tpu.memory_space<vmem>>, %arg8: memref<16384xf32, #tpu.memory_space<vmem>>, %arg9: memref<16384xf32, #tpu.memory_space<vmem>>) attributes {dimension_semantics = [#tpu.dimension_semantics<core_parallel>, #tpu.dimension_semantics<subcore_parallel>], iteration_bounds = array<i64: 2, 16>, scalar_prefetch = 0 : i64, scratch_operands = 4 : i64, tpu.core_type = #tpu.core_type<sc_vector_subcore>, window_params = [{transform_indices = #map}, {transform_indices = #map1}, {transform_indices = #map}, {transform_indices = #map}]} {
    %mul3A = arith.constant 2 : i32
    %mul3A_0 = arith.muli %arg1, %mul3A : i32
    %add3A = arith.addi %mul3A_0, %arg0 : i32
    %jit3A = arith.constant 8 : i32
    %eq3A = arith.constant 0 : i32
    %eq3A_1 = arith.cmpi eq, %jit3A, %eq3A : i32
    %jit3A_2 = arith.constant 1 : i32
    %select_n3A = arith.select %eq3A_1, %jit3A_2, %jit3A : i32
    %rem3A = arith.remsi %add3A, %select_n3A : i32
    %ne3A = arith.constant 0 : i32
    %ne3A_3 = arith.cmpi ne, %rem3A, %ne3A : i32
    %lt3A = arith.constant 0 : i32
    %lt3A_4 = arith.cmpi slt, %rem3A, %lt3A : i32
    %lt3A_5 = arith.constant 0 : i32
    %lt3A_6 = arith.cmpi slt, %select_n3A, %lt3A_5 : i32
    %ne3A_7 = arith.xori %lt3A_4, %lt3A_6 : i1
    %and3A = arith.andi %ne3A_7, %ne3A_3 : i1
    %add3A_8 = arith.addi %rem3A, %select_n3A : i32
    %select_n3A_9 = arith.select %and3A, %add3A_8, %rem3A : i32
    %jit3A_10 = arith.constant 8 : i32
    %div3A = arith.divsi %add3A, %jit3A_10 : i32
    %sign3A = arith.constant 0 : i32
    %sign3A_11 = arith.cmpi sgt, %add3A, %sign3A : i32
    %sign3A_12 = arith.extui %sign3A_11 : i1 to i32
    %sign3A_13 = arith.constant 0 : i32
    %sign3A_14 = arith.cmpi slt, %add3A, %sign3A_13 : i32
    %sign3A_15 = arith.extui %sign3A_14 : i1 to i32
    %sign3A_16 = arith.subi %sign3A_12, %sign3A_15 : i32
    %sign3A_17 = arith.constant 0 : i32
    %sign3A_18 = arith.cmpi sgt, %jit3A_10, %sign3A_17 : i32
    %sign3A_19 = arith.extui %sign3A_18 : i1 to i32
    %sign3A_20 = arith.constant 0 : i32
    %sign3A_21 = arith.cmpi slt, %jit3A_10, %sign3A_20 : i32
    %sign3A_22 = arith.extui %sign3A_21 : i1 to i32
    %sign3A_23 = arith.subi %sign3A_19, %sign3A_22 : i32
    %ne3A_24 = arith.cmpi ne, %sign3A_16, %sign3A_23 : i32
    %rem3A_25 = arith.remsi %add3A, %jit3A_10 : i32
    %ne3A_26 = arith.constant 0 : i32
    %ne3A_27 = arith.cmpi ne, %rem3A_25, %ne3A_26 : i32
    %and3A_28 = arith.andi %ne3A_24, %ne3A_27 : i1
    %sub3A = arith.constant 1 : i32
    %sub3A_29 = arith.subi %div3A, %sub3A : i32
    %select_n3A_30 = arith.select %and3A_28, %sub3A_29, %div3A : i32
    "tpu.region"() ({
      %run_scoped3A = tpu.sem_alloc : memref<!tpu.dma_semaphore, #tpu.memory_space<semaphore_mem>>
      %dma_start3A = arith.constant 0 : i32
      %dma_start3A_36 = tpu.memref_slice %arg3[%select_n3A_9, %dma_start3A] : memref<8x16384xi32, #tpu.memory_space<hbm>> -> memref<1x16384xi32, #tpu.memory_space<hbm>>
      %dma_start3A_37 = tpu.memref_squeeze %dma_start3A_36 : memref<1x16384xi32, #tpu.memory_space<hbm>> -> memref<16384xi32, #tpu.memory_space<hbm>>
      %dma_start3A_38 = arith.constant 0 : i32
      %dma_start3A_39 = tpu.memref_slice %arg3[%select_n3A_9, %dma_start3A_38] : memref<8x16384xi32, #tpu.memory_space<hbm>> -> memref<1x16384xi32, #tpu.memory_space<hbm>>
      %dma_start3A_40 = tpu.memref_squeeze %dma_start3A_39 : memref<1x16384xi32, #tpu.memory_space<hbm>> -> memref<16384xi32, #tpu.memory_space<hbm>>
      tpu.enqueue_dma source(%dma_start3A_40 : memref<16384xi32, #tpu.memory_space<hbm>>) target(%arg6 : memref<16384xi32, #tpu.memory_space<vmem>>) target_semaphore(%run_scoped3A : memref<!tpu.dma_semaphore, #tpu.memory_space<semaphore_mem>>)
      %dma_wait3A = arith.constant 0 : i32
      %dma_wait3A_41 = tpu.memref_slice %arg3[%select_n3A_9, %dma_wait3A] : memref<8x16384xi32, #tpu.memory_space<hbm>> -> memref<1x16384xi32, #tpu.memory_space<hbm>>
      %dma_wait3A_42 = tpu.memref_squeeze %dma_wait3A_41 : memref<1x16384xi32, #tpu.memory_space<hbm>> -> memref<16384xi32, #tpu.memory_space<hbm>>
      %dma_wait3A_43 = arith.constant 0 : i32
      %dma_wait3A_44 = tpu.memref_slice %arg3[%select_n3A_9, %dma_wait3A_43] : memref<8x16384xi32, #tpu.memory_space<hbm>> -> memref<1x16384xi32, #tpu.memory_space<hbm>>
      %dma_wait3A_45 = tpu.memref_squeeze %dma_wait3A_44 : memref<1x16384xi32, #tpu.memory_space<hbm>> -> memref<16384xi32, #tpu.memory_space<hbm>>
      tpu.wait_dma2 semaphore(%run_scoped3A : memref<!tpu.dma_semaphore, #tpu.memory_space<semaphore_mem>>) src(%dma_wait3A_45 : memref<16384xi32, #tpu.memory_space<hbm>>) dst(%arg6 : memref<16384xi32, #tpu.memory_space<vmem>>)
      tpu.yield
    }) : () -> ()
    %scan3A = arith.constant 0 : i32
    %scan3A_31 = arith.constant 0 : i32
    %scan3A_32 = arith.constant 17 : i32
    %scan3A_33 = arith.addi %scan3A_31, %scan3A_32 : i32
    %scan3A_34 = arith.constant 1 : i32
    scf.for %scan3A_36 = %scan3A_31 to %scan3A_33 step %scan3A_34  : i32 {
      %mul3A_37 = arith.constant 4 : i32
      %mul3A_38 = arith.muli %mul3A_37, %scan3A_36 : i32
      %add3A_39 = arith.addi %select_n3A_30, %mul3A_38 : i32
      %lt3A_40 = arith.constant 67 : i32
      %lt3A_41 = arith.cmpi slt, %add3A_39, %lt3A_40 : i32
      %convert_element_type3A = arith.extui %lt3A_41 : i1 to i32
      %cond3A = arith.constant 0 : i32
      %cond3A_42 = arith.cmpi ne, %convert_element_type3A, %cond3A : i32
      scf.if %cond3A_42 {
        "tpu.region"() ({
          %run_scoped3A = tpu.sem_alloc : memref<!tpu.dma_semaphore, #tpu.memory_space<semaphore_mem>>
          %dma_start3A = arith.constant 0 : i32
          %dma_start3A_52 = tpu.memref_slice %arg2[%select_n3A_9, %add3A_39, %dma_start3A] : memref<8x67x8192xf32, #tpu.memory_space<hbm>> -> memref<1x1x8192xf32, #tpu.memory_space<hbm>>
          %dma_start3A_53 = tpu.memref_squeeze %dma_start3A_52 : memref<1x1x8192xf32, #tpu.memory_space<hbm>> -> memref<8192xf32, #tpu.memory_space<hbm>>
          %dma_start3A_54 = arith.constant 0 : i32
          %dma_start3A_55 = tpu.memref_slice %arg2[%select_n3A_9, %add3A_39, %dma_start3A_54] : memref<8x67x8192xf32, #tpu.memory_space<hbm>> -> memref<1x1x8192xf32, #tpu.memory_space<hbm>>
          %dma_start3A_56 = tpu.memref_squeeze %dma_start3A_55 : memref<1x1x8192xf32, #tpu.memory_space<hbm>> -> memref<8192xf32, #tpu.memory_space<hbm>>
          tpu.enqueue_dma source(%dma_start3A_56 : memref<8192xf32, #tpu.memory_space<hbm>>) target(%arg7 : memref<8192xf32, #tpu.memory_space<vmem>>) target_semaphore(%run_scoped3A : memref<!tpu.dma_semaphore, #tpu.memory_space<semaphore_mem>>)
          %dma_wait3A = arith.constant 0 : i32
          %dma_wait3A_57 = tpu.memref_slice %arg2[%select_n3A_9, %add3A_39, %dma_wait3A] : memref<8x67x8192xf32, #tpu.memory_space<hbm>> -> memref<1x1x8192xf32, #tpu.memory_space<hbm>>
          %dma_wait3A_58 = tpu.memref_squeeze %dma_wait3A_57 : memref<1x1x8192xf32, #tpu.memory_space<hbm>> -> memref<8192xf32, #tpu.memory_space<hbm>>
          %dma_wait3A_59 = arith.constant 0 : i32
          %dma_wait3A_60 = tpu.memref_slice %arg2[%select_n3A_9, %add3A_39, %dma_wait3A_59] : memref<8x67x8192xf32, #tpu.memory_space<hbm>> -> memref<1x1x8192xf32, #tpu.memory_space<hbm>>
          %dma_wait3A_61 = tpu.memref_squeeze %dma_wait3A_60 : memref<1x1x8192xf32, #tpu.memory_space<hbm>> -> memref<8192xf32, #tpu.memory_space<hbm>>
          tpu.wait_dma2 semaphore(%run_scoped3A : memref<!tpu.dma_semaphore, #tpu.memory_space<semaphore_mem>>) src(%dma_wait3A_61 : memref<8192xf32, #tpu.memory_space<hbm>>) dst(%arg7 : memref<8192xf32, #tpu.memory_space<vmem>>)
          tpu.yield
        }) : () -> ()
        %lt3A_43 = arith.constant 64 : i32
        %lt3A_44 = arith.cmpi slt, %add3A_39, %lt3A_43 : i32
        %convert_element_type3A_45 = arith.extui %lt3A_44 : i1 to i32
        %cond3A_46 = arith.constant 0 : i32
        %cond3A_47 = arith.cmpi ne, %convert_element_type3A_45, %cond3A_46 : i32
        scf.if %cond3A_47 {
          %scan3A_52 = arith.constant 0 : i32
          %scan3A_53 = arith.constant 0 : i32
          %scan3A_54 = arith.constant 1024 : i32
          %scan3A_55 = arith.addi %scan3A_53, %scan3A_54 : i32
          %scan3A_56 = arith.constant 1 : i32
          scf.for %scan3A_58 = %scan3A_53 to %scan3A_55 step %scan3A_56  : i32 {
            %mul3A_59 = arith.constant 16 : i32
            %mul3A_60 = arith.muli %scan3A_58, %mul3A_59 : i32
            %get3A = arith.index_cast %mul3A_60 : i32 to index
            %get3A_61 = tpu.vector_load %arg6[%get3A] {strides = array<i32>} : memref<16384xi32, #tpu.memory_space<vmem>>, vector<16xi32>,
            %gather3A = tpu.vector_load_idx %arg7[%get3A_61] : memref<8192xf32, #tpu.memory_space<vmem>>[vector<16xi32>], vector<16xf32>,
            %mul3A_62 = arith.constant 16 : i32
            %mul3A_63 = arith.muli %scan3A_58, %mul3A_62 : i32
            %swap3A = arith.index_cast %mul3A_63 : i32 to index
            %swap3A_64 = tpu.vector_load %arg8[%swap3A] {strides = array<i32>} : memref<16384xf32, #tpu.memory_space<vmem>>, vector<16xf32>,
            tpu.vector_store %arg8[%swap3A], %gather3A {strides = array<i32>} : memref<16384xf32, #tpu.memory_space<vmem>>, vector<16xf32>,
          }
          %scan3A_57 = arith.constant 1024 : i32
        } else {
        }
        %ge3A = arith.constant 64 : i32
        %ge3A_48 = arith.cmpi sge, %add3A_39, %ge3A : i32
        %convert_element_type3A_49 = arith.extui %ge3A_48 : i1 to i32
        %cond3A_50 = arith.constant 0 : i32
        %cond3A_51 = arith.cmpi ne, %convert_element_type3A_49, %cond3A_50 : i32
        scf.if %cond3A_51 {
          %sub3A_52 = arith.constant 64 : i32
          %sub3A_53 = arith.subi %add3A_39, %sub3A_52 : i32
          "tpu.region"() ({
            %run_scoped3A = tpu.sem_alloc : memref<!tpu.dma_semaphore, #tpu.memory_space<semaphore_mem>>
            %dma_start3A = arith.constant 0 : i32
            %dma_start3A_60 = tpu.memref_slice %arg4[%select_n3A_9, %sub3A_53, %dma_start3A] : memref<8x3x16384xf32, #tpu.memory_space<hbm>> -> memref<1x1x16384xf32, #tpu.memory_space<hbm>>
            %dma_start3A_61 = tpu.memref_squeeze %dma_start3A_60 : memref<1x1x16384xf32, #tpu.memory_space<hbm>> -> memref<16384xf32, #tpu.memory_space<hbm>>
            %dma_start3A_62 = arith.constant 0 : i32
            %dma_start3A_63 = tpu.memref_slice %arg4[%select_n3A_9, %sub3A_53, %dma_start3A_62] : memref<8x3x16384xf32, #tpu.memory_space<hbm>> -> memref<1x1x16384xf32, #tpu.memory_space<hbm>>
            %dma_start3A_64 = tpu.memref_squeeze %dma_start3A_63 : memref<1x1x16384xf32, #tpu.memory_space<hbm>> -> memref<16384xf32, #tpu.memory_space<hbm>>
            tpu.enqueue_dma source(%dma_start3A_64 : memref<16384xf32, #tpu.memory_space<hbm>>) target(%arg9 : memref<16384xf32, #tpu.memory_space<vmem>>) target_semaphore(%run_scoped3A : memref<!tpu.dma_semaphore, #tpu.memory_space<semaphore_mem>>)
            %dma_wait3A = arith.constant 0 : i32
            %dma_wait3A_65 = tpu.memref_slice %arg4[%select_n3A_9, %sub3A_53, %dma_wait3A] : memref<8x3x16384xf32, #tpu.memory_space<hbm>> -> memref<1x1x16384xf32, #tpu.memory_space<hbm>>
            %dma_wait3A_66 = tpu.memref_squeeze %dma_wait3A_65 : memref<1x1x16384xf32, #tpu.memory_space<hbm>> -> memref<16384xf32, #tpu.memory_space<hbm>>
            %dma_wait3A_67 = arith.constant 0 : i32
            %dma_wait3A_68 = tpu.memref_slice %arg4[%select_n3A_9, %sub3A_53, %dma_wait3A_67] : memref<8x3x16384xf32, #tpu.memory_space<hbm>> -> memref<1x1x16384xf32, #tpu.memory_space<hbm>>
            %dma_wait3A_69 = tpu.memref_squeeze %dma_wait3A_68 : memref<1x1x16384xf32, #tpu.memory_space<hbm>> -> memref<16384xf32, #tpu.memory_space<hbm>>
            tpu.wait_dma2 semaphore(%run_scoped3A : memref<!tpu.dma_semaphore, #tpu.memory_space<semaphore_mem>>) src(%dma_wait3A_69 : memref<16384xf32, #tpu.memory_space<hbm>>) dst(%arg9 : memref<16384xf32, #tpu.memory_space<vmem>>)
            tpu.yield
          }) : () -> ()
          %scan3A_54 = arith.constant 0 : i32
          %scan3A_55 = arith.constant 0 : i32
          %scan3A_56 = arith.constant 1024 : i32
          %scan3A_57 = arith.addi %scan3A_55, %scan3A_56 : i32
          %scan3A_58 = arith.constant 1 : i32
          scf.for %scan3A_60 = %scan3A_55 to %scan3A_57 step %scan3A_58  : i32 {
            %mul3A_61 = arith.constant 16 : i32
            %mul3A_62 = arith.muli %scan3A_60, %mul3A_61 : i32
            %get3A = arith.index_cast %mul3A_62 : i32 to index
            %get3A_63 = tpu.vector_load %arg6[%get3A] {strides = array<i32>} : memref<16384xi32, #tpu.memory_space<vmem>>, vector<16xi32>,
            %gather3A = tpu.vector_load_idx %arg7[%get3A_63] : memref<8192xf32, #tpu.memory_space<vmem>>[vector<16xi32>], vector<16xf32>,
            %get3A_64 = arith.index_cast %mul3A_62 : i32 to index
            %get3A_65 = tpu.vector_load %arg9[%get3A_64] {strides = array<i32>} : memref<16384xf32, #tpu.memory_space<vmem>>, vector<16xf32>,
            %sub3A_66 = arith.subf %gather3A, %get3A_65 : vector<16xf32>
            %swap3A = arith.index_cast %mul3A_62 : i32 to index
            %swap3A_67 = tpu.vector_load %arg8[%swap3A] {strides = array<i32>} : memref<16384xf32, #tpu.memory_space<vmem>>, vector<16xf32>,
            tpu.vector_store %arg8[%swap3A], %sub3A_66 {strides = array<i32>} : memref<16384xf32, #tpu.memory_space<vmem>>, vector<16xf32>,
          }
          %scan3A_59 = arith.constant 1024 : i32
        } else {
        }
        "tpu.region"() ({
          %run_scoped3A = tpu.sem_alloc : memref<!tpu.dma_semaphore, #tpu.memory_space<semaphore_mem>>
          %dma_start3A = arith.constant 0 : i32
          %dma_start3A_52 = tpu.memref_slice %arg5[%select_n3A_9, %add3A_39, %dma_start3A] : memref<8x67x16384xf32, #tpu.memory_space<hbm>> -> memref<1x1x16384xf32, #tpu.memory_space<hbm>>
          %dma_start3A_53 = tpu.memref_squeeze %dma_start3A_52 : memref<1x1x16384xf32, #tpu.memory_space<hbm>> -> memref<16384xf32, #tpu.memory_space<hbm>>
          %dma_start3A_54 = arith.constant 0 : i32
          %dma_start3A_55 = tpu.memref_slice %arg5[%select_n3A_9, %add3A_39, %dma_start3A_54] : memref<8x67x16384xf32, #tpu.memory_space<hbm>> -> memref<1x1x16384xf32, #tpu.memory_space<hbm>>
          %dma_start3A_56 = tpu.memref_squeeze %dma_start3A_55 : memref<1x1x16384xf32, #tpu.memory_space<hbm>> -> memref<16384xf32, #tpu.memory_space<hbm>>
          tpu.enqueue_dma source(%arg8 : memref<16384xf32, #tpu.memory_space<vmem>>) target(%dma_start3A_56 : memref<16384xf32, #tpu.memory_space<hbm>>) target_semaphore(%run_scoped3A : memref<!tpu.dma_semaphore, #tpu.memory_space<semaphore_mem>>)
          %dma_wait3A = arith.constant 0 : i32
          %dma_wait3A_57 = tpu.memref_slice %arg5[%select_n3A_9, %add3A_39, %dma_wait3A] : memref<8x67x16384xf32, #tpu.memory_space<hbm>> -> memref<1x1x16384xf32, #tpu.memory_space<hbm>>
          %dma_wait3A_58 = tpu.memref_squeeze %dma_wait3A_57 : memref<1x1x16384xf32, #tpu.memory_space<hbm>> -> memref<16384xf32, #tpu.memory_space<hbm>>
          %dma_wait3A_59 = arith.constant 0 : i32
          %dma_wait3A_60 = tpu.memref_slice %arg5[%select_n3A_9, %add3A_39, %dma_wait3A_59] : memref<8x67x16384xf32, #tpu.memory_space<hbm>> -> memref<1x1x16384xf32, #tpu.memory_space<hbm>>
          %dma_wait3A_61 = tpu.memref_squeeze %dma_wait3A_60 : memref<1x1x16384xf32, #tpu.memory_space<hbm>> -> memref<16384xf32, #tpu.memory_space<hbm>>
          tpu.wait_dma2 semaphore(%run_scoped3A : memref<!tpu.dma_semaphore, #tpu.memory_space<semaphore_mem>>) src(%arg8 : memref<16384xf32, #tpu.memory_space<vmem>>) dst(%dma_wait3A_61 : memref<16384xf32, #tpu.memory_space<hbm>>)
          tpu.yield
        }) : () -> ()
      } else {
      }
    }
    %scan3A_35 = arith.constant 17 : i32
    return
  }
}

#map = affine_map<(d0, d1) -> (0, 0)>
#map1 = affine_map<(d0, d1) -> (0)>
module attributes {stable_mosaic.version = 14 : i64} {
  func.func @_rewritten_body(%arg0: i32, %arg1: i32, %arg2: memref<4096x8192xf32, #tpu.memory_space<hbm>>, %arg3: memref<4096xf32, #tpu.memory_space<hbm>>, %arg4: memref<1xf32, #tpu.memory_space<hbm>>, %arg5: memref<4096x32xi32, #tpu.memory_space<hbm>>, %arg6: memref<8192xf32, #tpu.memory_space<vmem>>, %arg7: memref<8208xf32, #tpu.memory_space<vmem>>, %arg8: memref<8208xi32, #tpu.memory_space<vmem>>, %arg9: memref<144xf32, #tpu.memory_space<vmem>>, %arg10: memref<128x32xi32, #tpu.memory_space<vmem>>) attributes {dimension_semantics = [#tpu.dimension_semantics<core_parallel>, #tpu.dimension_semantics<subcore_parallel>], iteration_bounds = array<i64: 2, 16>, scalar_prefetch = 0 : i64, scratch_operands = 5 : i64, tpu.core_type = #tpu.core_type<sc_vector_subcore>, window_params = [{transform_indices = #map}, {transform_indices = #map1}, {transform_indices = #map1}, {transform_indices = #map}]} {
    %empty_ref3A = memref.alloca() : memref<16xf32, #tpu.memory_space<vmem>>
    "tpu.region"() ({
      %run_scoped3A = tpu.sem_alloc : memref<!tpu.dma_semaphore, #tpu.memory_space<semaphore_mem>>
      %dma_start3A = arith.constant 0 : i32
      %dma_start3A_9 = tpu.memref_slice %empty_ref3A[%dma_start3A] : memref<16xf32, #tpu.memory_space<vmem>> -> memref<1xf32, #tpu.memory_space<vmem>>
      %dma_start3A_10 = arith.constant 0 : i32
      %dma_start3A_11 = tpu.memref_slice %empty_ref3A[%dma_start3A_10] : memref<16xf32, #tpu.memory_space<vmem>> -> memref<1xf32, #tpu.memory_space<vmem>>
      tpu.enqueue_dma source(%arg4 : memref<1xf32, #tpu.memory_space<hbm>>) target(%dma_start3A_11 : memref<1xf32, #tpu.memory_space<vmem>>) target_semaphore(%run_scoped3A : memref<!tpu.dma_semaphore, #tpu.memory_space<semaphore_mem>>)
      %dma_wait3A = arith.constant 0 : i32
      %dma_wait3A_12 = tpu.memref_slice %empty_ref3A[%dma_wait3A] : memref<16xf32, #tpu.memory_space<vmem>> -> memref<1xf32, #tpu.memory_space<vmem>>
      %dma_wait3A_13 = arith.constant 0 : i32
      %dma_wait3A_14 = tpu.memref_slice %empty_ref3A[%dma_wait3A_13] : memref<16xf32, #tpu.memory_space<vmem>> -> memref<1xf32, #tpu.memory_space<vmem>>
      tpu.wait_dma2 semaphore(%run_scoped3A : memref<!tpu.dma_semaphore, #tpu.memory_space<semaphore_mem>>) src(%arg4 : memref<1xf32, #tpu.memory_space<hbm>>) dst(%dma_wait3A_14 : memref<1xf32, #tpu.memory_space<vmem>>)
      tpu.yield
    }) : () -> ()
    %get3A = arith.constant 0 : index
    %get3A_0 = tpu.vector_load %empty_ref3A[%get3A] {strides = array<i32>} : memref<16xf32, #tpu.memory_space<vmem>>, vector<16xf32>,
    %slice3A = vector.extract_strided_slice %get3A_0 {offsets = [0], sizes = [1], strides = [1]} : vector<16xf32> to vector<1xf32>
    %squeeze3A = vector.extract %slice3A[0] : f32 from vector<1xf32>
    %mul3A = arith.constant 2 : i32
    %mul3A_1 = arith.muli %arg1, %mul3A : i32
    %add3A = arith.addi %mul3A_1, %arg0 : i32
    %mul3A_2 = arith.constant 128 : i32
    %mul3A_3 = arith.muli %add3A, %mul3A_2 : i32
    "tpu.region"() ({
      %run_scoped3A = tpu.sem_alloc : memref<!tpu.dma_semaphore, #tpu.memory_space<semaphore_mem>>
      %dma_start3A = arith.constant 0 : i32
      %dma_start3A_9 = tpu.memref_slice %arg9[%dma_start3A] : memref<144xf32, #tpu.memory_space<vmem>> -> memref<128xf32, #tpu.memory_space<vmem>>
      %dma_start3A_10 = tpu.memref_slice %arg3[%mul3A_3] : memref<4096xf32, #tpu.memory_space<hbm>> -> memref<128xf32, #tpu.memory_space<hbm>>
      %dma_start3A_11 = arith.constant 0 : i32
      %dma_start3A_12 = tpu.memref_slice %arg9[%dma_start3A_11] : memref<144xf32, #tpu.memory_space<vmem>> -> memref<128xf32, #tpu.memory_space<vmem>>
      %dma_start3A_13 = tpu.memref_slice %arg3[%mul3A_3] : memref<4096xf32, #tpu.memory_space<hbm>> -> memref<128xf32, #tpu.memory_space<hbm>>
      tpu.enqueue_dma source(%dma_start3A_13 : memref<128xf32, #tpu.memory_space<hbm>>) target(%dma_start3A_12 : memref<128xf32, #tpu.memory_space<vmem>>) target_semaphore(%run_scoped3A : memref<!tpu.dma_semaphore, #tpu.memory_space<semaphore_mem>>)
      %dma_wait3A = arith.constant 0 : i32
      %dma_wait3A_14 = tpu.memref_slice %arg9[%dma_wait3A] : memref<144xf32, #tpu.memory_space<vmem>> -> memref<128xf32, #tpu.memory_space<vmem>>
      %dma_wait3A_15 = tpu.memref_slice %arg3[%mul3A_3] : memref<4096xf32, #tpu.memory_space<hbm>> -> memref<128xf32, #tpu.memory_space<hbm>>
      %dma_wait3A_16 = arith.constant 0 : i32
      %dma_wait3A_17 = tpu.memref_slice %arg9[%dma_wait3A_16] : memref<144xf32, #tpu.memory_space<vmem>> -> memref<128xf32, #tpu.memory_space<vmem>>
      %dma_wait3A_18 = tpu.memref_slice %arg3[%mul3A_3] : memref<4096xf32, #tpu.memory_space<hbm>> -> memref<128xf32, #tpu.memory_space<hbm>>
      tpu.wait_dma2 semaphore(%run_scoped3A : memref<!tpu.dma_semaphore, #tpu.memory_space<semaphore_mem>>) src(%dma_wait3A_18 : memref<128xf32, #tpu.memory_space<hbm>>) dst(%dma_wait3A_17 : memref<128xf32, #tpu.memory_space<vmem>>)
      tpu.yield
    }) : () -> ()
    %iota3A = tpu.iota {dimensions = array<i32: 0>} : vector<16xi32>
    %scan3A = arith.constant 0 : i32
    %scan3A_4 = arith.constant 0 : i32
    %scan3A_5 = arith.constant 128 : i32
    %scan3A_6 = arith.addi %scan3A_4, %scan3A_5 : i32
    %scan3A_7 = arith.constant 1 : i32
    scf.for %scan3A_9 = %scan3A_4 to %scan3A_6 step %scan3A_7  : i32 {
      %add3A_10 = arith.addi %mul3A_3, %scan3A_9 : i32
      "tpu.region"() ({
        %run_scoped3A = tpu.sem_alloc : memref<!tpu.dma_semaphore, #tpu.memory_space<semaphore_mem>>
        %dma_start3A = arith.constant 0 : i32
        %dma_start3A_62 = tpu.memref_slice %arg2[%add3A_10, %dma_start3A] : memref<4096x8192xf32, #tpu.memory_space<hbm>> -> memref<1x8192xf32, #tpu.memory_space<hbm>>
        %dma_start3A_63 = tpu.memref_squeeze %dma_start3A_62 : memref<1x8192xf32, #tpu.memory_space<hbm>> -> memref<8192xf32, #tpu.memory_space<hbm>>
        %dma_start3A_64 = arith.constant 0 : i32
        %dma_start3A_65 = tpu.memref_slice %arg2[%add3A_10, %dma_start3A_64] : memref<4096x8192xf32, #tpu.memory_space<hbm>> -> memref<1x8192xf32, #tpu.memory_space<hbm>>
        %dma_start3A_66 = tpu.memref_squeeze %dma_start3A_65 : memref<1x8192xf32, #tpu.memory_space<hbm>> -> memref<8192xf32, #tpu.memory_space<hbm>>
        tpu.enqueue_dma source(%dma_start3A_66 : memref<8192xf32, #tpu.memory_space<hbm>>) target(%arg6 : memref<8192xf32, #tpu.memory_space<vmem>>) target_semaphore(%run_scoped3A : memref<!tpu.dma_semaphore, #tpu.memory_space<semaphore_mem>>)
        %dma_wait3A = arith.constant 0 : i32
        %dma_wait3A_67 = tpu.memref_slice %arg2[%add3A_10, %dma_wait3A] : memref<4096x8192xf32, #tpu.memory_space<hbm>> -> memref<1x8192xf32, #tpu.memory_space<hbm>>
        %dma_wait3A_68 = tpu.memref_squeeze %dma_wait3A_67 : memref<1x8192xf32, #tpu.memory_space<hbm>> -> memref<8192xf32, #tpu.memory_space<hbm>>
        %dma_wait3A_69 = arith.constant 0 : i32
        %dma_wait3A_70 = tpu.memref_slice %arg2[%add3A_10, %dma_wait3A_69] : memref<4096x8192xf32, #tpu.memory_space<hbm>> -> memref<1x8192xf32, #tpu.memory_space<hbm>>
        %dma_wait3A_71 = tpu.memref_squeeze %dma_wait3A_70 : memref<1x8192xf32, #tpu.memory_space<hbm>> -> memref<8192xf32, #tpu.memory_space<hbm>>
        tpu.wait_dma2 semaphore(%run_scoped3A : memref<!tpu.dma_semaphore, #tpu.memory_space<semaphore_mem>>) src(%dma_wait3A_71 : memref<8192xf32, #tpu.memory_space<hbm>>) dst(%arg6 : memref<8192xf32, #tpu.memory_space<vmem>>)
        tpu.yield
      }) : () -> ()
      %get3A_11 = arith.index_cast %scan3A_9 : i32 to index
      %get3A_12 = tpu.vector_load %arg9[%get3A_11] {strides = array<i32>} : memref<144xf32, #tpu.memory_space<vmem>>, vector<16xf32>,
      %slice3A_13 = vector.extract_strided_slice %get3A_12 {offsets = [0], sizes = [1], strides = [1]} : vector<16xf32> to vector<1xf32>
      %squeeze3A_14 = vector.extract %slice3A_13[0] : f32 from vector<1xf32>
      %broadcast_in_dim3A = vector.broadcast %squeeze3A_14 : f32 to vector<16xf32>
      %scan3A_15 = arith.constant 0 : i32
      %scan3A_16 = arith.constant 0 : i32
      %scan3A_17 = arith.constant 512 : i32
      %scan3A_18 = arith.addi %scan3A_16, %scan3A_17 : i32
      %scan3A_19 = arith.constant 1 : i32
      %scan3A_20 = scf.for %scan3A_62 = %scan3A_16 to %scan3A_18 step %scan3A_19 iter_args(%scan3A_63 = %scan3A_15) -> (i32)  : i32 {
        %mul3A_64 = arith.constant 16 : i32
        %mul3A_65 = arith.muli %scan3A_62, %mul3A_64 : i32
        %get3A_66 = arith.index_cast %mul3A_65 : i32 to index
        %get3A_67 = tpu.vector_load %arg6[%get3A_66] {strides = array<i32>} : memref<8192xf32, #tpu.memory_space<vmem>>, vector<16xf32>,
        %le3A = arith.cmpf ole, %get3A_67, %broadcast_in_dim3A : vector<16xf32>
        %swap3A_68 = arith.index_cast %scan3A_63 : i32 to index
        %swap3A_69 = tpu.vector_load %arg7[%swap3A_68] masked %le3A {strides = array<i32>} : memref<8208xf32, #tpu.memory_space<vmem>>, vector<16xf32>, vector<16xi1>
        tpu.vector_store %arg7[%swap3A_68], %get3A_67 masked %le3A {strides = array<i32>} : memref<8208xf32, #tpu.memory_space<vmem>>, vector<16xf32>, vector<16xi1>
        %mul3A_70 = arith.constant 16 : i32
        %mul3A_71 = arith.muli %scan3A_62, %mul3A_70 : i32
        %broadcast_in_dim3A_72 = arith.constant 1 : i32
        %broadcast_in_dim3A_73 = vector.broadcast %broadcast_in_dim3A_72 : i32 to vector<16xi32>
        %mul3A_74 = vector.broadcast %mul3A_71 : i32 to vector<16xi32>
        %mul3A_75 = arith.muli %broadcast_in_dim3A_73, %mul3A_74 : vector<16xi32>
        %add3A_76 = arith.addi %iota3A, %mul3A_75 : vector<16xi32>
        %swap3A_77 = arith.index_cast %scan3A_63 : i32 to index
        %swap3A_78 = tpu.vector_load %arg8[%swap3A_77] masked %le3A {strides = array<i32>} : memref<8208xi32, #tpu.memory_space<vmem>>, vector<16xi32>, vector<16xi1>
        tpu.vector_store %arg8[%swap3A_77], %add3A_76 masked %le3A {strides = array<i32>} : memref<8208xi32, #tpu.memory_space<vmem>>, vector<16xi32>, vector<16xi1>
        %convert_element_type3A = arith.extui %le3A : vector<16xi1> to vector<16xi32>
        %reduce_sum3A = arith.constant true
        %reduce_sum3A_79 = vector.broadcast %reduce_sum3A : i1 to vector<16xi1>
        %reduce_sum3A_80 = tpu.scan <sum>, %convert_element_type3A masked %reduce_sum3A_79 : vector<16xi32>, vector<16xi1> -> vector<16xi32>
        %reduce_sum3A_81 = vector.extract %reduce_sum3A_80[15] : i32 from vector<16xi32>
        %add3A_82 = arith.addi %scan3A_63, %reduce_sum3A_81 : i32
        scf.yield %add3A_82 : i32
      }
      %scan3A_21 = arith.constant 512 : i32
      %add3A_22 = arith.constant 15 : i32
      %add3A_23 = arith.addi %scan3A_20, %add3A_22 : i32
      %jit3A = arith.constant 16 : i32
      %div3A = arith.divsi %add3A_23, %jit3A : i32
      %sign3A = arith.constant 0 : i32
      %sign3A_24 = arith.cmpi sgt, %add3A_23, %sign3A : i32
      %sign3A_25 = arith.extui %sign3A_24 : i1 to i32
      %sign3A_26 = arith.constant 0 : i32
      %sign3A_27 = arith.cmpi slt, %add3A_23, %sign3A_26 : i32
      %sign3A_28 = arith.extui %sign3A_27 : i1 to i32
      %sign3A_29 = arith.subi %sign3A_25, %sign3A_28 : i32
      %sign3A_30 = arith.constant 0 : i32
      %sign3A_31 = arith.cmpi sgt, %jit3A, %sign3A_30 : i32
      %sign3A_32 = arith.extui %sign3A_31 : i1 to i32
      %sign3A_33 = arith.constant 0 : i32
      %sign3A_34 = arith.cmpi slt, %jit3A, %sign3A_33 : i32
      %sign3A_35 = arith.extui %sign3A_34 : i1 to i32
      %sign3A_36 = arith.subi %sign3A_32, %sign3A_35 : i32
      %ne3A = arith.cmpi ne, %sign3A_29, %sign3A_36 : i32
      %rem3A = arith.remsi %add3A_23, %jit3A : i32
      %ne3A_37 = arith.constant 0 : i32
      %ne3A_38 = arith.cmpi ne, %rem3A, %ne3A_37 : i32
      %and3A = arith.andi %ne3A, %ne3A_38 : i1
      %sub3A = arith.constant 1 : i32
      %sub3A_39 = arith.subi %div3A, %sub3A : i32
      %select_n3A = arith.select %and3A, %sub3A_39, %div3A : i32
      %broadcast_in_dim3A_40 = arith.constant 1 : i32
      %broadcast_in_dim3A_41 = vector.broadcast %broadcast_in_dim3A_40 : i32 to vector<16xi32>
      %mul3A_42 = vector.broadcast %scan3A_20 : i32 to vector<16xi32>
      %mul3A_43 = arith.muli %broadcast_in_dim3A_41, %mul3A_42 : vector<16xi32>
      %broadcast_in_dim3A_44 = arith.constant 1 : i32
      %broadcast_in_dim3A_45 = vector.broadcast %broadcast_in_dim3A_44 : i32 to vector<16xi32>
      %mul3A_46 = arith.constant 1073741824 : i32
      %mul3A_47 = vector.broadcast %mul3A_46 : i32 to vector<16xi32>
      %mul3A_48 = arith.muli %broadcast_in_dim3A_45, %mul3A_47 : vector<16xi32>
      %broadcast_in_dim3A_49 = arith.constant 0 : i32
      %broadcast_in_dim3A_50 = vector.broadcast %broadcast_in_dim3A_49 : i32 to vector<16xi32>
      %scan3A_51 = arith.constant 0 : i32
      %scan3A_52 = arith.constant 32 : i32
      %scan3A_53 = arith.addi %scan3A_51, %scan3A_52 : i32
      %scan3A_54 = arith.constant 1 : i32
      %scan3A_55:2 = scf.for %scan3A_62 = %scan3A_51 to %scan3A_53 step %scan3A_54 iter_args(%scan3A_63 = %broadcast_in_dim3A_50, %scan3A_64 = %broadcast_in_dim3A_50) -> (vector<16xi32>, vector<16xi32>)  : i32 {
        %broadcast_in_dim3A_65 = vector.broadcast %squeeze3A : f32 to vector<16xf32>
        %broadcast_in_dim3A_66 = arith.constant 0 : i32
        %broadcast_in_dim3A_67 = vector.broadcast %broadcast_in_dim3A_66 : i32 to vector<16xi32>
        %while3A = arith.constant 0 : i32
        %while3A_68 = arith.subi %select_n3A, %while3A : i32
        %while3A_69 = arith.addi %while3A, %while3A_68 : i32
        %while3A_70 = arith.constant 1 : i32
        %while3A_71 = arith.divsi %while3A_68, %while3A_70 : i32
        %while3A_72 = arith.muli %while3A_71, %while3A_70 : i32
        %while3A_73 = arith.addi %while3A, %while3A_72 : i32
        %while3A_74 = arith.constant 1 : i32
        %while3A_75:3 = scf.for %while3A_166 = %while3A to %while3A_73 step %while3A_74 iter_args(%while3A_167 = %broadcast_in_dim3A_65, %while3A_168 = %broadcast_in_dim3A_67, %while3A_169 = %broadcast_in_dim3A_67) -> (vector<16xf32>, vector<16xi32>, vector<16xi32>)  : i32 {
          %mul3A_170 = arith.constant 16 : i32
          %mul3A_171 = arith.muli %while3A_166, %mul3A_170 : i32
          %broadcast_in_dim3A_172 = arith.constant 1 : i32
          %broadcast_in_dim3A_173 = vector.broadcast %broadcast_in_dim3A_172 : i32 to vector<16xi32>
          %mul3A_174 = vector.broadcast %mul3A_171 : i32 to vector<16xi32>
          %mul3A_175 = arith.muli %broadcast_in_dim3A_173, %mul3A_174 : vector<16xi32>
          %add3A_176 = arith.addi %iota3A, %mul3A_175 : vector<16xi32>
          %get3A_177 = arith.index_cast %mul3A_171 : i32 to index
          %get3A_178 = tpu.vector_load %arg7[%get3A_177] {strides = array<i32>} : memref<8208xf32, #tpu.memory_space<vmem>>, vector<16xf32>,
          %get3A_179 = arith.index_cast %mul3A_171 : i32 to index
          %get3A_180 = tpu.vector_load %arg8[%get3A_179] {strides = array<i32>} : memref<8208xi32, #tpu.memory_space<vmem>>, vector<16xi32>,
          %lt3A = arith.cmpi slt, %add3A_176, %mul3A_43 : vector<16xi32>
          %broadcast_in_dim3A_181 = vector.broadcast %squeeze3A : f32 to vector<16xf32>
          %select_n3A_182 = arith.select %lt3A, %get3A_178, %broadcast_in_dim3A_181 : vector<16xi1>, vector<16xf32>
          %lt3A_183 = arith.cmpf olt, %select_n3A_182, %while3A_167 : vector<16xf32>
          %select_n3A_184 = arith.select %lt3A_183, %select_n3A_182, %while3A_167 : vector<16xi1>, vector<16xf32>
          %select_n3A_185 = arith.select %lt3A_183, %get3A_180, %while3A_168 : vector<16xi1>, vector<16xi32>
          %select_n3A_186 = arith.select %lt3A_183, %add3A_176, %while3A_169 : vector<16xi1>, vector<16xi32>
          scf.yield %select_n3A_184, %select_n3A_185, %select_n3A_186 : vector<16xf32>, vector<16xi32>, vector<16xi32>
        }
        %while3A_76 = arith.constant 1 : i32
        %while3A_77:3 = scf.for %while3A_166 = %while3A_73 to %while3A_69 step %while3A_76 iter_args(%while3A_167 = %while3A_75#0, %while3A_168 = %while3A_75#1, %while3A_169 = %while3A_75#2) -> (vector<16xf32>, vector<16xi32>, vector<16xi32>)  : i32 {
          %mul3A_170 = arith.constant 16 : i32
          %mul3A_171 = arith.muli %while3A_166, %mul3A_170 : i32
          %broadcast_in_dim3A_172 = arith.constant 1 : i32
          %broadcast_in_dim3A_173 = vector.broadcast %broadcast_in_dim3A_172 : i32 to vector<16xi32>
          %mul3A_174 = vector.broadcast %mul3A_171 : i32 to vector<16xi32>
          %mul3A_175 = arith.muli %broadcast_in_dim3A_173, %mul3A_174 : vector<16xi32>
          %add3A_176 = arith.addi %iota3A, %mul3A_175 : vector<16xi32>
          %get3A_177 = arith.index_cast %mul3A_171 : i32 to index
          %get3A_178 = tpu.vector_load %arg7[%get3A_177] {strides = array<i32>} : memref<8208xf32, #tpu.memory_space<vmem>>, vector<16xf32>,
          %get3A_179 = arith.index_cast %mul3A_171 : i32 to index
          %get3A_180 = tpu.vector_load %arg8[%get3A_179] {strides = array<i32>} : memref<8208xi32, #tpu.memory_space<vmem>>, vector<16xi32>,
          %lt3A = arith.cmpi slt, %add3A_176, %mul3A_43 : vector<16xi32>
          %broadcast_in_dim3A_181 = vector.broadcast %squeeze3A : f32 to vector<16xf32>
          %select_n3A_182 = arith.select %lt3A, %get3A_178, %broadcast_in_dim3A_181 : vector<16xi1>, vector<16xf32>
          %lt3A_183 = arith.cmpf olt, %select_n3A_182, %while3A_167 : vector<16xf32>
          %select_n3A_184 = arith.select %lt3A_183, %select_n3A_182, %while3A_167 : vector<16xi1>, vector<16xf32>
          %select_n3A_185 = arith.select %lt3A_183, %get3A_180, %while3A_168 : vector<16xi1>, vector<16xi32>
          %select_n3A_186 = arith.select %lt3A_183, %add3A_176, %while3A_169 : vector<16xi1>, vector<16xi32>
          scf.yield %select_n3A_184, %select_n3A_185, %select_n3A_186 : vector<16xf32>, vector<16xi32>, vector<16xi32>
        }
        %reduce_min3A = arith.constant true
        %reduce_min3A_78 = vector.broadcast %reduce_min3A : i1 to vector<16xi1>
        %reduce_min3A_79 = tpu.scan <min>, %while3A_77#0 masked %reduce_min3A_78 : vector<16xf32>, vector<16xi1> -> vector<16xf32>
        %reduce_min3A_80 = vector.extract %reduce_min3A_79[15] : f32 from vector<16xf32>
        %broadcast_in_dim3A_81 = vector.broadcast %reduce_min3A_80 : f32 to vector<16xf32>
        %eq3A = arith.cmpf oeq, %while3A_77#0, %broadcast_in_dim3A_81 : vector<16xf32>
        %select_n3A_82 = arith.select %eq3A, %while3A_77#1, %mul3A_48 : vector<16xi1>, vector<16xi32>
        %reduce_min3A_83 = arith.constant true
        %reduce_min3A_84 = vector.broadcast %reduce_min3A_83 : i1 to vector<16xi1>
        %reduce_min3A_85 = arith.constant -2147483648 : i32
        %reduce_min3A_86 = vector.broadcast %reduce_min3A_85 : i32 to vector<16xi32>
        %reduce_min3A_87 = arith.xori %select_n3A_82, %reduce_min3A_86 : vector<16xi32>
        %reduce_min3A_88 = tpu.scan <min>, %reduce_min3A_87 masked %reduce_min3A_84 : vector<16xi32>, vector<16xi1> -> vector<16xi32>
        %reduce_min3A_89 = arith.xori %reduce_min3A_88, %reduce_min3A_86 : vector<16xi32>
        %reduce_min3A_90 = vector.extract %reduce_min3A_89[15] : i32 from vector<16xi32>
        %broadcast_in_dim3A_91 = arith.constant 1 : i32
        %broadcast_in_dim3A_92 = vector.broadcast %broadcast_in_dim3A_91 : i32 to vector<16xi32>
        %mul3A_93 = vector.broadcast %reduce_min3A_90 : i32 to vector<16xi32>
        %mul3A_94 = arith.muli %broadcast_in_dim3A_92, %mul3A_93 : vector<16xi32>
        %eq3A_95 = arith.cmpi eq, %while3A_77#1, %mul3A_94 : vector<16xi32>
        %and3A_96 = arith.andi %eq3A, %eq3A_95 : vector<16xi1>
        %select_n3A_97 = arith.select %and3A_96, %while3A_77#2, %mul3A_48 : vector<16xi1>, vector<16xi32>
        %reduce_min3A_98 = arith.constant true
        %reduce_min3A_99 = vector.broadcast %reduce_min3A_98 : i1 to vector<16xi1>
        %reduce_min3A_100 = arith.constant -2147483648 : i32
        %reduce_min3A_101 = vector.broadcast %reduce_min3A_100 : i32 to vector<16xi32>
        %reduce_min3A_102 = arith.xori %select_n3A_97, %reduce_min3A_101 : vector<16xi32>
        %reduce_min3A_103 = tpu.scan <min>, %reduce_min3A_102 masked %reduce_min3A_99 : vector<16xi32>, vector<16xi1> -> vector<16xi32>
        %reduce_min3A_104 = arith.xori %reduce_min3A_103, %reduce_min3A_101 : vector<16xi32>
        %reduce_min3A_105 = vector.extract %reduce_min3A_104[15] : i32 from vector<16xi32>
        %broadcast_in_dim3A_106 = arith.constant 1 : i32
        %broadcast_in_dim3A_107 = vector.broadcast %broadcast_in_dim3A_106 : i32 to vector<16xi32>
        %mul3A_108 = vector.broadcast %reduce_min3A_90 : i32 to vector<16xi32>
        %mul3A_109 = arith.muli %broadcast_in_dim3A_107, %mul3A_108 : vector<16xi32>
        %broadcast_in_dim3A_110 = arith.constant 1 : i32
        %broadcast_in_dim3A_111 = vector.broadcast %broadcast_in_dim3A_110 : i32 to vector<16xi32>
        %mul3A_112 = vector.broadcast %scan3A_62 : i32 to vector<16xi32>
        %mul3A_113 = arith.muli %broadcast_in_dim3A_111, %mul3A_112 : vector<16xi32>
        %eq3A_114 = arith.cmpi eq, %iota3A, %mul3A_113 : vector<16xi32>
        %select_n3A_115 = arith.select %eq3A_114, %mul3A_109, %scan3A_63 : vector<16xi1>, vector<16xi32>
        %sub3A_116 = arith.constant 16 : i32
        %sub3A_117 = arith.subi %scan3A_62, %sub3A_116 : i32
        %broadcast_in_dim3A_118 = arith.constant 1 : i32
        %broadcast_in_dim3A_119 = vector.broadcast %broadcast_in_dim3A_118 : i32 to vector<16xi32>
        %mul3A_120 = vector.broadcast %sub3A_117 : i32 to vector<16xi32>
        %mul3A_121 = arith.muli %broadcast_in_dim3A_119, %mul3A_120 : vector<16xi32>
        %eq3A_122 = arith.cmpi eq, %iota3A, %mul3A_121 : vector<16xi32>
        %select_n3A_123 = arith.select %eq3A_122, %mul3A_109, %scan3A_64 : vector<16xi1>, vector<16xi32>
        %jit3A_124 = arith.constant 16 : i32
        %div3A_125 = arith.divsi %reduce_min3A_105, %jit3A_124 : i32
        %sign3A_126 = arith.constant 0 : i32
        %sign3A_127 = arith.cmpi sgt, %reduce_min3A_105, %sign3A_126 : i32
        %sign3A_128 = arith.extui %sign3A_127 : i1 to i32
        %sign3A_129 = arith.constant 0 : i32
        %sign3A_130 = arith.cmpi slt, %reduce_min3A_105, %sign3A_129 : i32
        %sign3A_131 = arith.extui %sign3A_130 : i1 to i32
        %sign3A_132 = arith.subi %sign3A_128, %sign3A_131 : i32
        %sign3A_133 = arith.constant 0 : i32
        %sign3A_134 = arith.cmpi sgt, %jit3A_124, %sign3A_133 : i32
        %sign3A_135 = arith.extui %sign3A_134 : i1 to i32
        %sign3A_136 = arith.constant 0 : i32
        %sign3A_137 = arith.cmpi slt, %jit3A_124, %sign3A_136 : i32
        %sign3A_138 = arith.extui %sign3A_137 : i1 to i32
        %sign3A_139 = arith.subi %sign3A_135, %sign3A_138 : i32
        %ne3A_140 = arith.cmpi ne, %sign3A_132, %sign3A_139 : i32
        %rem3A_141 = arith.remsi %reduce_min3A_105, %jit3A_124 : i32
        %ne3A_142 = arith.constant 0 : i32
        %ne3A_143 = arith.cmpi ne, %rem3A_141, %ne3A_142 : i32
        %and3A_144 = arith.andi %ne3A_140, %ne3A_143 : i1
        %sub3A_145 = arith.constant 1 : i32
        %sub3A_146 = arith.subi %div3A_125, %sub3A_145 : i32
        %select_n3A_147 = arith.select %and3A_144, %sub3A_146, %div3A_125 : i32
        %mul3A_148 = arith.constant 16 : i32
        %mul3A_149 = arith.muli %select_n3A_147, %mul3A_148 : i32
        %get3A_150 = arith.index_cast %mul3A_149 : i32 to index
        %get3A_151 = tpu.vector_load %arg7[%get3A_150] {strides = array<i32>} : memref<8208xf32, #tpu.memory_space<vmem>>, vector<16xf32>,
        %broadcast_in_dim3A_152 = arith.constant 1 : i32
        %broadcast_in_dim3A_153 = vector.broadcast %broadcast_in_dim3A_152 : i32 to vector<16xi32>
        %mul3A_154 = vector.broadcast %mul3A_149 : i32 to vector<16xi32>
        %mul3A_155 = arith.muli %broadcast_in_dim3A_153, %mul3A_154 : vector<16xi32>
        %add3A_156 = arith.addi %iota3A, %mul3A_155 : vector<16xi32>
        %broadcast_in_dim3A_157 = arith.constant 1 : i32
        %broadcast_in_dim3A_158 = vector.broadcast %broadcast_in_dim3A_157 : i32 to vector<16xi32>
        %mul3A_159 = vector.broadcast %reduce_min3A_105 : i32 to vector<16xi32>
        %mul3A_160 = arith.muli %broadcast_in_dim3A_158, %mul3A_159 : vector<16xi32>
        %eq3A_161 = arith.cmpi eq, %add3A_156, %mul3A_160 : vector<16xi32>
        %broadcast_in_dim3A_162 = vector.broadcast %squeeze3A : f32 to vector<16xf32>
        %select_n3A_163 = arith.select %eq3A_161, %broadcast_in_dim3A_162, %get3A_151 : vector<16xi1>, vector<16xf32>
        %swap3A_164 = arith.index_cast %mul3A_149 : i32 to index
        %swap3A_165 = tpu.vector_load %arg7[%swap3A_164] {strides = array<i32>} : memref<8208xf32, #tpu.memory_space<vmem>>, vector<16xf32>,
        tpu.vector_store %arg7[%swap3A_164], %select_n3A_163 {strides = array<i32>} : memref<8208xf32, #tpu.memory_space<vmem>>, vector<16xf32>,
        scf.yield %select_n3A_115, %select_n3A_123 : vector<16xi32>, vector<16xi32>
      }
      %scan3A_56 = arith.constant 32 : i32
      %swap3A = arith.index_cast %scan3A_9 : i32 to index
      %swap3A_57 = arith.constant 0 : index
      %swap3A_58 = tpu.vector_load %arg10[%swap3A, %swap3A_57] {strides = array<i32>} : memref<128x32xi32, #tpu.memory_space<vmem>>, vector<16xi32>,
      tpu.vector_store %arg10[%swap3A, %swap3A_57], %scan3A_55#0 {strides = array<i32>} : memref<128x32xi32, #tpu.memory_space<vmem>>, vector<16xi32>,
      %swap3A_59 = arith.index_cast %scan3A_9 : i32 to index
      %swap3A_60 = arith.constant 16 : index
      %swap3A_61 = tpu.vector_load %arg10[%swap3A_59, %swap3A_60] {strides = array<i32>} : memref<128x32xi32, #tpu.memory_space<vmem>>, vector<16xi32>,
      tpu.vector_store %arg10[%swap3A_59, %swap3A_60], %scan3A_55#1 {strides = array<i32>} : memref<128x32xi32, #tpu.memory_space<vmem>>, vector<16xi32>,
    }
    %scan3A_8 = arith.constant 128 : i32
    "tpu.region"() ({
      %run_scoped3A = tpu.sem_alloc : memref<!tpu.dma_semaphore, #tpu.memory_space<semaphore_mem>>
      %dma_start3A = arith.constant 0 : i32
      %dma_start3A_9 = tpu.memref_slice %arg5[%mul3A_3, %dma_start3A] : memref<4096x32xi32, #tpu.memory_space<hbm>> -> memref<128x32xi32, #tpu.memory_space<hbm>>
      %dma_start3A_10 = arith.constant 0 : i32
      %dma_start3A_11 = tpu.memref_slice %arg5[%mul3A_3, %dma_start3A_10] : memref<4096x32xi32, #tpu.memory_space<hbm>> -> memref<128x32xi32, #tpu.memory_space<hbm>>
      tpu.enqueue_dma source(%arg10 : memref<128x32xi32, #tpu.memory_space<vmem>>) target(%dma_start3A_11 : memref<128x32xi32, #tpu.memory_space<hbm>>) target_semaphore(%run_scoped3A : memref<!tpu.dma_semaphore, #tpu.memory_space<semaphore_mem>>)
      %dma_wait3A = arith.constant 0 : i32
      %dma_wait3A_12 = tpu.memref_slice %arg5[%mul3A_3, %dma_wait3A] : memref<4096x32xi32, #tpu.memory_space<hbm>> -> memref<128x32xi32, #tpu.memory_space<hbm>>
      %dma_wait3A_13 = arith.constant 0 : i32
      %dma_wait3A_14 = tpu.memref_slice %arg5[%mul3A_3, %dma_wait3A_13] : memref<4096x32xi32, #tpu.memory_space<hbm>> -> memref<128x32xi32, #tpu.memory_space<hbm>>
      tpu.wait_dma2 semaphore(%run_scoped3A : memref<!tpu.dma_semaphore, #tpu.memory_space<semaphore_mem>>) src(%arg10 : memref<128x32xi32, #tpu.memory_space<vmem>>) dst(%dma_wait3A_14 : memref<128x32xi32, #tpu.memory_space<hbm>>)
      tpu.yield
    }) : () -> ()
    return
  }
}

module attributes {stable_mosaic.version = 14 : i64} {
  func.func @_dist_body(%arg0: i32, %arg1: i32, %arg2: memref<1x3x128xf32, #tpu.memory_space<vmem>>, %arg3: memref<1x3x8192xf32, #tpu.memory_space<vmem>>, %arg4: memref<1x128x8192xf32, #tpu.memory_space<vmem>>, %arg5: memref<1x128x1xf32, #tpu.memory_space<vmem>>) attributes {dimension_semantics = [#tpu.dimension_semantics<arbitrary>, #tpu.dimension_semantics<arbitrary>], iteration_bounds = array<i64: 8, 4>, scalar_prefetch = 0 : i64, scratch_operands = 0 : i64, tpu.core_type = #tpu.core_type<tc>, window_params = [{transform_indices = @transform_0, window_bounds = array<i64: 1, 3, 128>}, {transform_indices = @transform_1, window_bounds = array<i64: 1, 3, 8192>}, {transform_indices = @transform_2, window_bounds = array<i64: 1, 128, 8192>}, {transform_indices = @transform_3, window_bounds = array<i64: 1, 128, 1>}]} {
    %get3A = arith.constant 0 : index
    %get3A_0 = arith.constant 0 : index
    %get3A_1 = arith.constant 0 : index
    %get3A_2 = vector.load %arg2[%get3A, %get3A_0, %get3A_1] : memref<1x3x128xf32, #tpu.memory_space<vmem>>, vector<1x3x128xf32>
    %get3A_3 = vector.shape_cast %get3A_2 : vector<1x3x128xf32> to vector<3x128xf32>
    %get3A_4 = arith.constant 0 : index
    %get3A_5 = arith.constant 0 : index
    %get3A_6 = arith.constant 0 : index
    %get3A_7 = vector.load %arg3[%get3A_4, %get3A_5, %get3A_6] : memref<1x3x8192xf32, #tpu.memory_space<vmem>>, vector<1x3x8192xf32>
    %get3A_8 = vector.shape_cast %get3A_7 : vector<1x3x8192xf32> to vector<3x8192xf32>
    %dot_general3A = arith.constant dense<0.000000e+00> : vector<128x8192xf32>
    %dot_general3A_9 = tpu.matmul %get3A_3, %get3A_8, %dot_general3A {dimension_numbers = #tpu.dot_dimension_numbers<[0], [0], [1], [1], [0, 1, 1, 1], [], []>, transpose_lhs_hint = false} : vector<3x128xf32>, vector<3x8192xf32>, vector<128x8192xf32> -> vector<128x8192xf32>
    %slice3A = vector.extract_strided_slice %get3A_3 {offsets = [0, 0], sizes = [1, 128], strides = [1, 1]} : vector<3x128xf32> to vector<1x128xf32>
    %squeeze3A = vector.shape_cast %slice3A : vector<1x128xf32> to vector<128xf32>
    %slice3A_10 = vector.extract_strided_slice %get3A_3 {offsets = [0, 0], sizes = [1, 128], strides = [1, 1]} : vector<3x128xf32> to vector<1x128xf32>
    %squeeze3A_11 = vector.shape_cast %slice3A_10 : vector<1x128xf32> to vector<128xf32>
    %mul3A = arith.mulf %squeeze3A, %squeeze3A_11 : vector<128xf32>
    %slice3A_12 = vector.extract_strided_slice %get3A_3 {offsets = [1, 0], sizes = [1, 128], strides = [1, 1]} : vector<3x128xf32> to vector<1x128xf32>
    %squeeze3A_13 = vector.shape_cast %slice3A_12 : vector<1x128xf32> to vector<128xf32>
    %slice3A_14 = vector.extract_strided_slice %get3A_3 {offsets = [1, 0], sizes = [1, 128], strides = [1, 1]} : vector<3x128xf32> to vector<1x128xf32>
    %squeeze3A_15 = vector.shape_cast %slice3A_14 : vector<1x128xf32> to vector<128xf32>
    %mul3A_16 = arith.mulf %squeeze3A_13, %squeeze3A_15 : vector<128xf32>
    %add3A = arith.addf %mul3A, %mul3A_16 : vector<128xf32>
    %slice3A_17 = vector.extract_strided_slice %get3A_3 {offsets = [2, 0], sizes = [1, 128], strides = [1, 1]} : vector<3x128xf32> to vector<1x128xf32>
    %squeeze3A_18 = vector.shape_cast %slice3A_17 : vector<1x128xf32> to vector<128xf32>
    %slice3A_19 = vector.extract_strided_slice %get3A_3 {offsets = [2, 0], sizes = [1, 128], strides = [1, 1]} : vector<3x128xf32> to vector<1x128xf32>
    %squeeze3A_20 = vector.shape_cast %slice3A_19 : vector<1x128xf32> to vector<128xf32>
    %mul3A_21 = arith.mulf %squeeze3A_18, %squeeze3A_20 : vector<128xf32>
    %add3A_22 = arith.addf %add3A, %mul3A_21 : vector<128xf32>
    %slice3A_23 = vector.extract_strided_slice %get3A_8 {offsets = [0, 0], sizes = [1, 8192], strides = [1, 1]} : vector<3x8192xf32> to vector<1x8192xf32>
    %squeeze3A_24 = vector.shape_cast %slice3A_23 : vector<1x8192xf32> to vector<8192xf32>
    %slice3A_25 = vector.extract_strided_slice %get3A_8 {offsets = [0, 0], sizes = [1, 8192], strides = [1, 1]} : vector<3x8192xf32> to vector<1x8192xf32>
    %squeeze3A_26 = vector.shape_cast %slice3A_25 : vector<1x8192xf32> to vector<8192xf32>
    %mul3A_27 = arith.mulf %squeeze3A_24, %squeeze3A_26 : vector<8192xf32>
    %slice3A_28 = vector.extract_strided_slice %get3A_8 {offsets = [1, 0], sizes = [1, 8192], strides = [1, 1]} : vector<3x8192xf32> to vector<1x8192xf32>
    %squeeze3A_29 = vector.shape_cast %slice3A_28 : vector<1x8192xf32> to vector<8192xf32>
    %slice3A_30 = vector.extract_strided_slice %get3A_8 {offsets = [1, 0], sizes = [1, 8192], strides = [1, 1]} : vector<3x8192xf32> to vector<1x8192xf32>
    %squeeze3A_31 = vector.shape_cast %slice3A_30 : vector<1x8192xf32> to vector<8192xf32>
    %mul3A_32 = arith.mulf %squeeze3A_29, %squeeze3A_31 : vector<8192xf32>
    %add3A_33 = arith.addf %mul3A_27, %mul3A_32 : vector<8192xf32>
    %slice3A_34 = vector.extract_strided_slice %get3A_8 {offsets = [2, 0], sizes = [1, 8192], strides = [1, 1]} : vector<3x8192xf32> to vector<1x8192xf32>
    %squeeze3A_35 = vector.shape_cast %slice3A_34 : vector<1x8192xf32> to vector<8192xf32>
    %slice3A_36 = vector.extract_strided_slice %get3A_8 {offsets = [2, 0], sizes = [1, 8192], strides = [1, 1]} : vector<3x8192xf32> to vector<1x8192xf32>
    %squeeze3A_37 = vector.shape_cast %slice3A_36 : vector<1x8192xf32> to vector<8192xf32>
    %mul3A_38 = arith.mulf %squeeze3A_35, %squeeze3A_37 : vector<8192xf32>
    %add3A_39 = arith.addf %add3A_33, %mul3A_38 : vector<8192xf32>
    %broadcast_in_dim3A = vector.shape_cast %add3A_22 : vector<128xf32> to vector<128x1xf32>
    %broadcast_in_dim3A_40 = vector.shape_cast %add3A_39 : vector<8192xf32> to vector<1x8192xf32>
    %add3A_41 = vector.broadcast %broadcast_in_dim3A : vector<128x1xf32> to vector<128x8192xf32>
    %add3A_42 = vector.broadcast %broadcast_in_dim3A_40 : vector<1x8192xf32> to vector<128x8192xf32>
    %add3A_43 = arith.addf %add3A_41, %add3A_42 : vector<128x8192xf32>
    %mul3A_44 = arith.constant 2.000000e+00 : f32
    %mul3A_45 = vector.broadcast %mul3A_44 : f32 to vector<128x8192xf32>
    %mul3A_46 = arith.mulf %mul3A_45, %dot_general3A_9 : vector<128x8192xf32>
    %sub3A = arith.subf %add3A_43, %mul3A_46 : vector<128x8192xf32>
    %max3A = arith.constant 0.000000e+00 : f32
    %max3A_47 = vector.broadcast %max3A : f32 to vector<128x8192xf32>
    %max3A_48 = arith.maximumf %sub3A, %max3A_47 : vector<128x8192xf32>
    %sqrt3A = math.sqrt %max3A_48 : vector<128x8192xf32>
    %swap3A = arith.constant 0 : index
    %swap3A_49 = arith.constant 0 : index
    %swap3A_50 = arith.constant 0 : index
    %swap3A_51 = vector.load %arg4[%swap3A, %swap3A_49, %swap3A_50] : memref<1x128x8192xf32, #tpu.memory_space<vmem>>, vector<1x128x8192xf32>
    %swap3A_52 = vector.shape_cast %swap3A_51 : vector<1x128x8192xf32> to vector<128x8192xf32>
    %swap3A_53 = vector.shape_cast %sqrt3A : vector<128x8192xf32> to vector<1x128x8192xf32>
    tpu.vector_store %arg4[%swap3A, %swap3A_49, %swap3A_50], %swap3A_53 {strides = array<i32>} : memref<1x128x8192xf32, #tpu.memory_space<vmem>>, vector<1x128x8192xf32>,
    %iota3A = tpu.iota {dimensions = array<i32: 1>} : vector<128x64xi32>
    %broadcast_in_dim3A_54 = arith.constant 0x7F800000 : f32
    %broadcast_in_dim3A_55 = vector.broadcast %broadcast_in_dim3A_54 : f32 to vector<128x64xf32>
    %slice3A_56 = vector.extract_strided_slice %sqrt3A {offsets = [0, 0], sizes = [128, 128], strides = [1, 1]} : vector<128x8192xf32> to vector<128x128xf32>
    %reduce_min3A = arith.constant dense<0x7F800000> : vector<128xf32>
    %reduce_min3A_57 = vector.multi_reduction <minimumf>, %slice3A_56, %reduce_min3A [1] : vector<128x128xf32> to vector<128xf32>
    %broadcast_in_dim3A_58 = vector.shape_cast %reduce_min3A_57 : vector<128xf32> to vector<128x1xf32>
    %eq3A = arith.constant 0 : i32
    %eq3A_59 = vector.broadcast %eq3A : i32 to vector<128x64xi32>
    %eq3A_60 = arith.cmpi eq, %iota3A, %eq3A_59 : vector<128x64xi32>
    %broadcast_in_dim3A_61 = vector.shape_cast %broadcast_in_dim3A_58 : vector<128x1xf32> to vector<128x1xf32>
    %broadcast_in_dim3A_62 = vector.broadcast %broadcast_in_dim3A_61 : vector<128x1xf32> to vector<128x64xf32>
    %select_n3A = arith.select %eq3A_60, %broadcast_in_dim3A_62, %broadcast_in_dim3A_55 : vector<128x64xi1>, vector<128x64xf32>
    %slice3A_63 = vector.extract_strided_slice %sqrt3A {offsets = [0, 128], sizes = [128, 128], strides = [1, 1]} : vector<128x8192xf32> to vector<128x128xf32>
    %reduce_min3A_64 = arith.constant dense<0x7F800000> : vector<128xf32>
    %reduce_min3A_65 = vector.multi_reduction <minimumf>, %slice3A_63, %reduce_min3A_64 [1] : vector<128x128xf32> to vector<128xf32>
    %broadcast_in_dim3A_66 = vector.shape_cast %reduce_min3A_65 : vector<128xf32> to vector<128x1xf32>
    %eq3A_67 = arith.constant 1 : i32
    %eq3A_68 = vector.broadcast %eq3A_67 : i32 to vector<128x64xi32>
    %eq3A_69 = arith.cmpi eq, %iota3A, %eq3A_68 : vector<128x64xi32>
    %broadcast_in_dim3A_70 = vector.shape_cast %broadcast_in_dim3A_66 : vector<128x1xf32> to vector<128x1xf32>
    %broadcast_in_dim3A_71 = vector.broadcast %broadcast_in_dim3A_70 : vector<128x1xf32> to vector<128x64xf32>
    %select_n3A_72 = arith.select %eq3A_69, %broadcast_in_dim3A_71, %select_n3A : vector<128x64xi1>, vector<128x64xf32>
    %slice3A_73 = vector.extract_strided_slice %sqrt3A {offsets = [0, 256], sizes = [128, 128], strides = [1, 1]} : vector<128x8192xf32> to vector<128x128xf32>
    %reduce_min3A_74 = arith.constant dense<0x7F800000> : vector<128xf32>
    %reduce_min3A_75 = vector.multi_reduction <minimumf>, %slice3A_73, %reduce_min3A_74 [1] : vector<128x128xf32> to vector<128xf32>
    %broadcast_in_dim3A_76 = vector.shape_cast %reduce_min3A_75 : vector<128xf32> to vector<128x1xf32>
    %eq3A_77 = arith.constant 2 : i32
    %eq3A_78 = vector.broadcast %eq3A_77 : i32 to vector<128x64xi32>
    %eq3A_79 = arith.cmpi eq, %iota3A, %eq3A_78 : vector<128x64xi32>
    %broadcast_in_dim3A_80 = vector.shape_cast %broadcast_in_dim3A_76 : vector<128x1xf32> to vector<128x1xf32>
    %broadcast_in_dim3A_81 = vector.broadcast %broadcast_in_dim3A_80 : vector<128x1xf32> to vector<128x64xf32>
    %select_n3A_82 = arith.select %eq3A_79, %broadcast_in_dim3A_81, %select_n3A_72 : vector<128x64xi1>, vector<128x64xf32>
    %slice3A_83 = vector.extract_strided_slice %sqrt3A {offsets = [0, 384], sizes = [128, 128], strides = [1, 1]} : vector<128x8192xf32> to vector<128x128xf32>
    %reduce_min3A_84 = arith.constant dense<0x7F800000> : vector<128xf32>
    %reduce_min3A_85 = vector.multi_reduction <minimumf>, %slice3A_83, %reduce_min3A_84 [1] : vector<128x128xf32> to vector<128xf32>
    %broadcast_in_dim3A_86 = vector.shape_cast %reduce_min3A_85 : vector<128xf32> to vector<128x1xf32>
    %eq3A_87 = arith.constant 3 : i32
    %eq3A_88 = vector.broadcast %eq3A_87 : i32 to vector<128x64xi32>
    %eq3A_89 = arith.cmpi eq, %iota3A, %eq3A_88 : vector<128x64xi32>
    %broadcast_in_dim3A_90 = vector.shape_cast %broadcast_in_dim3A_86 : vector<128x1xf32> to vector<128x1xf32>
    %broadcast_in_dim3A_91 = vector.broadcast %broadcast_in_dim3A_90 : vector<128x1xf32> to vector<128x64xf32>
    %select_n3A_92 = arith.select %eq3A_89, %broadcast_in_dim3A_91, %select_n3A_82 : vector<128x64xi1>, vector<128x64xf32>
    %slice3A_93 = vector.extract_strided_slice %sqrt3A {offsets = [0, 512], sizes = [128, 128], strides = [1, 1]} : vector<128x8192xf32> to vector<128x128xf32>
    %reduce_min3A_94 = arith.constant dense<0x7F800000> : vector<128xf32>
    %reduce_min3A_95 = vector.multi_reduction <minimumf>, %slice3A_93, %reduce_min3A_94 [1] : vector<128x128xf32> to vector<128xf32>
    %broadcast_in_dim3A_96 = vector.shape_cast %reduce_min3A_95 : vector<128xf32> to vector<128x1xf32>
    %eq3A_97 = arith.constant 4 : i32
    %eq3A_98 = vector.broadcast %eq3A_97 : i32 to vector<128x64xi32>
    %eq3A_99 = arith.cmpi eq, %iota3A, %eq3A_98 : vector<128x64xi32>
    %broadcast_in_dim3A_100 = vector.shape_cast %broadcast_in_dim3A_96 : vector<128x1xf32> to vector<128x1xf32>
    %broadcast_in_dim3A_101 = vector.broadcast %broadcast_in_dim3A_100 : vector<128x1xf32> to vector<128x64xf32>
    %select_n3A_102 = arith.select %eq3A_99, %broadcast_in_dim3A_101, %select_n3A_92 : vector<128x64xi1>, vector<128x64xf32>
    %slice3A_103 = vector.extract_strided_slice %sqrt3A {offsets = [0, 640], sizes = [128, 128], strides = [1, 1]} : vector<128x8192xf32> to vector<128x128xf32>
    %reduce_min3A_104 = arith.constant dense<0x7F800000> : vector<128xf32>
    %reduce_min3A_105 = vector.multi_reduction <minimumf>, %slice3A_103, %reduce_min3A_104 [1] : vector<128x128xf32> to vector<128xf32>
    %broadcast_in_dim3A_106 = vector.shape_cast %reduce_min3A_105 : vector<128xf32> to vector<128x1xf32>
    %eq3A_107 = arith.constant 5 : i32
    %eq3A_108 = vector.broadcast %eq3A_107 : i32 to vector<128x64xi32>
    %eq3A_109 = arith.cmpi eq, %iota3A, %eq3A_108 : vector<128x64xi32>
    %broadcast_in_dim3A_110 = vector.shape_cast %broadcast_in_dim3A_106 : vector<128x1xf32> to vector<128x1xf32>
    %broadcast_in_dim3A_111 = vector.broadcast %broadcast_in_dim3A_110 : vector<128x1xf32> to vector<128x64xf32>
    %select_n3A_112 = arith.select %eq3A_109, %broadcast_in_dim3A_111, %select_n3A_102 : vector<128x64xi1>, vector<128x64xf32>
    %slice3A_113 = vector.extract_strided_slice %sqrt3A {offsets = [0, 768], sizes = [128, 128], strides = [1, 1]} : vector<128x8192xf32> to vector<128x128xf32>
    %reduce_min3A_114 = arith.constant dense<0x7F800000> : vector<128xf32>
    %reduce_min3A_115 = vector.multi_reduction <minimumf>, %slice3A_113, %reduce_min3A_114 [1] : vector<128x128xf32> to vector<128xf32>
    %broadcast_in_dim3A_116 = vector.shape_cast %reduce_min3A_115 : vector<128xf32> to vector<128x1xf32>
    %eq3A_117 = arith.constant 6 : i32
    %eq3A_118 = vector.broadcast %eq3A_117 : i32 to vector<128x64xi32>
    %eq3A_119 = arith.cmpi eq, %iota3A, %eq3A_118 : vector<128x64xi32>
    %broadcast_in_dim3A_120 = vector.shape_cast %broadcast_in_dim3A_116 : vector<128x1xf32> to vector<128x1xf32>
    %broadcast_in_dim3A_121 = vector.broadcast %broadcast_in_dim3A_120 : vector<128x1xf32> to vector<128x64xf32>
    %select_n3A_122 = arith.select %eq3A_119, %broadcast_in_dim3A_121, %select_n3A_112 : vector<128x64xi1>, vector<128x64xf32>
    %slice3A_123 = vector.extract_strided_slice %sqrt3A {offsets = [0, 896], sizes = [128, 128], strides = [1, 1]} : vector<128x8192xf32> to vector<128x128xf32>
    %reduce_min3A_124 = arith.constant dense<0x7F800000> : vector<128xf32>
    %reduce_min3A_125 = vector.multi_reduction <minimumf>, %slice3A_123, %reduce_min3A_124 [1] : vector<128x128xf32> to vector<128xf32>
    %broadcast_in_dim3A_126 = vector.shape_cast %reduce_min3A_125 : vector<128xf32> to vector<128x1xf32>
    %eq3A_127 = arith.constant 7 : i32
    %eq3A_128 = vector.broadcast %eq3A_127 : i32 to vector<128x64xi32>
    %eq3A_129 = arith.cmpi eq, %iota3A, %eq3A_128 : vector<128x64xi32>
    %broadcast_in_dim3A_130 = vector.shape_cast %broadcast_in_dim3A_126 : vector<128x1xf32> to vector<128x1xf32>
    %broadcast_in_dim3A_131 = vector.broadcast %broadcast_in_dim3A_130 : vector<128x1xf32> to vector<128x64xf32>
    %select_n3A_132 = arith.select %eq3A_129, %broadcast_in_dim3A_131, %select_n3A_122 : vector<128x64xi1>, vector<128x64xf32>
    %slice3A_133 = vector.extract_strided_slice %sqrt3A {offsets = [0, 1024], sizes = [128, 128], strides = [1, 1]} : vector<128x8192xf32> to vector<128x128xf32>
    %reduce_min3A_134 = arith.constant dense<0x7F800000> : vector<128xf32>
    %reduce_min3A_135 = vector.multi_reduction <minimumf>, %slice3A_133, %reduce_min3A_134 [1] : vector<128x128xf32> to vector<128xf32>
    %broadcast_in_dim3A_136 = vector.shape_cast %reduce_min3A_135 : vector<128xf32> to vector<128x1xf32>
    %eq3A_137 = arith.constant 8 : i32
    %eq3A_138 = vector.broadcast %eq3A_137 : i32 to vector<128x64xi32>
    %eq3A_139 = arith.cmpi eq, %iota3A, %eq3A_138 : vector<128x64xi32>
    %broadcast_in_dim3A_140 = vector.shape_cast %broadcast_in_dim3A_136 : vector<128x1xf32> to vector<128x1xf32>
    %broadcast_in_dim3A_141 = vector.broadcast %broadcast_in_dim3A_140 : vector<128x1xf32> to vector<128x64xf32>
    %select_n3A_142 = arith.select %eq3A_139, %broadcast_in_dim3A_141, %select_n3A_132 : vector<128x64xi1>, vector<128x64xf32>
    %slice3A_143 = vector.extract_strided_slice %sqrt3A {offsets = [0, 1152], sizes = [128, 128], strides = [1, 1]} : vector<128x8192xf32> to vector<128x128xf32>
    %reduce_min3A_144 = arith.constant dense<0x7F800000> : vector<128xf32>
    %reduce_min3A_145 = vector.multi_reduction <minimumf>, %slice3A_143, %reduce_min3A_144 [1] : vector<128x128xf32> to vector<128xf32>
    %broadcast_in_dim3A_146 = vector.shape_cast %reduce_min3A_145 : vector<128xf32> to vector<128x1xf32>
    %eq3A_147 = arith.constant 9 : i32
    %eq3A_148 = vector.broadcast %eq3A_147 : i32 to vector<128x64xi32>
    %eq3A_149 = arith.cmpi eq, %iota3A, %eq3A_148 : vector<128x64xi32>
    %broadcast_in_dim3A_150 = vector.shape_cast %broadcast_in_dim3A_146 : vector<128x1xf32> to vector<128x1xf32>
    %broadcast_in_dim3A_151 = vector.broadcast %broadcast_in_dim3A_150 : vector<128x1xf32> to vector<128x64xf32>
    %select_n3A_152 = arith.select %eq3A_149, %broadcast_in_dim3A_151, %select_n3A_142 : vector<128x64xi1>, vector<128x64xf32>
    %slice3A_153 = vector.extract_strided_slice %sqrt3A {offsets = [0, 1280], sizes = [128, 128], strides = [1, 1]} : vector<128x8192xf32> to vector<128x128xf32>
    %reduce_min3A_154 = arith.constant dense<0x7F800000> : vector<128xf32>
    %reduce_min3A_155 = vector.multi_reduction <minimumf>, %slice3A_153, %reduce_min3A_154 [1] : vector<128x128xf32> to vector<128xf32>
    %broadcast_in_dim3A_156 = vector.shape_cast %reduce_min3A_155 : vector<128xf32> to vector<128x1xf32>
    %eq3A_157 = arith.constant 10 : i32
    %eq3A_158 = vector.broadcast %eq3A_157 : i32 to vector<128x64xi32>
    %eq3A_159 = arith.cmpi eq, %iota3A, %eq3A_158 : vector<128x64xi32>
    %broadcast_in_dim3A_160 = vector.shape_cast %broadcast_in_dim3A_156 : vector<128x1xf32> to vector<128x1xf32>
    %broadcast_in_dim3A_161 = vector.broadcast %broadcast_in_dim3A_160 : vector<128x1xf32> to vector<128x64xf32>
    %select_n3A_162 = arith.select %eq3A_159, %broadcast_in_dim3A_161, %select_n3A_152 : vector<128x64xi1>, vector<128x64xf32>
    %slice3A_163 = vector.extract_strided_slice %sqrt3A {offsets = [0, 1408], sizes = [128, 128], strides = [1, 1]} : vector<128x8192xf32> to vector<128x128xf32>
    %reduce_min3A_164 = arith.constant dense<0x7F800000> : vector<128xf32>
    %reduce_min3A_165 = vector.multi_reduction <minimumf>, %slice3A_163, %reduce_min3A_164 [1] : vector<128x128xf32> to vector<128xf32>
    %broadcast_in_dim3A_166 = vector.shape_cast %reduce_min3A_165 : vector<128xf32> to vector<128x1xf32>
    %eq3A_167 = arith.constant 11 : i32
    %eq3A_168 = vector.broadcast %eq3A_167 : i32 to vector<128x64xi32>
    %eq3A_169 = arith.cmpi eq, %iota3A, %eq3A_168 : vector<128x64xi32>
    %broadcast_in_dim3A_170 = vector.shape_cast %broadcast_in_dim3A_166 : vector<128x1xf32> to vector<128x1xf32>
    %broadcast_in_dim3A_171 = vector.broadcast %broadcast_in_dim3A_170 : vector<128x1xf32> to vector<128x64xf32>
    %select_n3A_172 = arith.select %eq3A_169, %broadcast_in_dim3A_171, %select_n3A_162 : vector<128x64xi1>, vector<128x64xf32>
    %slice3A_173 = vector.extract_strided_slice %sqrt3A {offsets = [0, 1536], sizes = [128, 128], strides = [1, 1]} : vector<128x8192xf32> to vector<128x128xf32>
    %reduce_min3A_174 = arith.constant dense<0x7F800000> : vector<128xf32>
    %reduce_min3A_175 = vector.multi_reduction <minimumf>, %slice3A_173, %reduce_min3A_174 [1] : vector<128x128xf32> to vector<128xf32>
    %broadcast_in_dim3A_176 = vector.shape_cast %reduce_min3A_175 : vector<128xf32> to vector<128x1xf32>
    %eq3A_177 = arith.constant 12 : i32
    %eq3A_178 = vector.broadcast %eq3A_177 : i32 to vector<128x64xi32>
    %eq3A_179 = arith.cmpi eq, %iota3A, %eq3A_178 : vector<128x64xi32>
    %broadcast_in_dim3A_180 = vector.shape_cast %broadcast_in_dim3A_176 : vector<128x1xf32> to vector<128x1xf32>
    %broadcast_in_dim3A_181 = vector.broadcast %broadcast_in_dim3A_180 : vector<128x1xf32> to vector<128x64xf32>
    %select_n3A_182 = arith.select %eq3A_179, %broadcast_in_dim3A_181, %select_n3A_172 : vector<128x64xi1>, vector<128x64xf32>
    %slice3A_183 = vector.extract_strided_slice %sqrt3A {offsets = [0, 1664], sizes = [128, 128], strides = [1, 1]} : vector<128x8192xf32> to vector<128x128xf32>
    %reduce_min3A_184 = arith.constant dense<0x7F800000> : vector<128xf32>
    %reduce_min3A_185 = vector.multi_reduction <minimumf>, %slice3A_183, %reduce_min3A_184 [1] : vector<128x128xf32> to vector<128xf32>
    %broadcast_in_dim3A_186 = vector.shape_cast %reduce_min3A_185 : vector<128xf32> to vector<128x1xf32>
    %eq3A_187 = arith.constant 13 : i32
    %eq3A_188 = vector.broadcast %eq3A_187 : i32 to vector<128x64xi32>
    %eq3A_189 = arith.cmpi eq, %iota3A, %eq3A_188 : vector<128x64xi32>
    %broadcast_in_dim3A_190 = vector.shape_cast %broadcast_in_dim3A_186 : vector<128x1xf32> to vector<128x1xf32>
    %broadcast_in_dim3A_191 = vector.broadcast %broadcast_in_dim3A_190 : vector<128x1xf32> to vector<128x64xf32>
    %select_n3A_192 = arith.select %eq3A_189, %broadcast_in_dim3A_191, %select_n3A_182 : vector<128x64xi1>, vector<128x64xf32>
    %slice3A_193 = vector.extract_strided_slice %sqrt3A {offsets = [0, 1792], sizes = [128, 128], strides = [1, 1]} : vector<128x8192xf32> to vector<128x128xf32>
    %reduce_min3A_194 = arith.constant dense<0x7F800000> : vector<128xf32>
    %reduce_min3A_195 = vector.multi_reduction <minimumf>, %slice3A_193, %reduce_min3A_194 [1] : vector<128x128xf32> to vector<128xf32>
    %broadcast_in_dim3A_196 = vector.shape_cast %reduce_min3A_195 : vector<128xf32> to vector<128x1xf32>
    %eq3A_197 = arith.constant 14 : i32
    %eq3A_198 = vector.broadcast %eq3A_197 : i32 to vector<128x64xi32>
    %eq3A_199 = arith.cmpi eq, %iota3A, %eq3A_198 : vector<128x64xi32>
    %broadcast_in_dim3A_200 = vector.shape_cast %broadcast_in_dim3A_196 : vector<128x1xf32> to vector<128x1xf32>
    %broadcast_in_dim3A_201 = vector.broadcast %broadcast_in_dim3A_200 : vector<128x1xf32> to vector<128x64xf32>
    %select_n3A_202 = arith.select %eq3A_199, %broadcast_in_dim3A_201, %select_n3A_192 : vector<128x64xi1>, vector<128x64xf32>
    %slice3A_203 = vector.extract_strided_slice %sqrt3A {offsets = [0, 1920], sizes = [128, 128], strides = [1, 1]} : vector<128x8192xf32> to vector<128x128xf32>
    %reduce_min3A_204 = arith.constant dense<0x7F800000> : vector<128xf32>
    %reduce_min3A_205 = vector.multi_reduction <minimumf>, %slice3A_203, %reduce_min3A_204 [1] : vector<128x128xf32> to vector<128xf32>
    %broadcast_in_dim3A_206 = vector.shape_cast %reduce_min3A_205 : vector<128xf32> to vector<128x1xf32>
    %eq3A_207 = arith.constant 15 : i32
    %eq3A_208 = vector.broadcast %eq3A_207 : i32 to vector<128x64xi32>
    %eq3A_209 = arith.cmpi eq, %iota3A, %eq3A_208 : vector<128x64xi32>
    %broadcast_in_dim3A_210 = vector.shape_cast %broadcast_in_dim3A_206 : vector<128x1xf32> to vector<128x1xf32>
    %broadcast_in_dim3A_211 = vector.broadcast %broadcast_in_dim3A_210 : vector<128x1xf32> to vector<128x64xf32>
    %select_n3A_212 = arith.select %eq3A_209, %broadcast_in_dim3A_211, %select_n3A_202 : vector<128x64xi1>, vector<128x64xf32>
    %slice3A_213 = vector.extract_strided_slice %sqrt3A {offsets = [0, 2048], sizes = [128, 128], strides = [1, 1]} : vector<128x8192xf32> to vector<128x128xf32>
    %reduce_min3A_214 = arith.constant dense<0x7F800000> : vector<128xf32>
    %reduce_min3A_215 = vector.multi_reduction <minimumf>, %slice3A_213, %reduce_min3A_214 [1] : vector<128x128xf32> to vector<128xf32>
    %broadcast_in_dim3A_216 = vector.shape_cast %reduce_min3A_215 : vector<128xf32> to vector<128x1xf32>
    %eq3A_217 = arith.constant 16 : i32
    %eq3A_218 = vector.broadcast %eq3A_217 : i32 to vector<128x64xi32>
    %eq3A_219 = arith.cmpi eq, %iota3A, %eq3A_218 : vector<128x64xi32>
    %broadcast_in_dim3A_220 = vector.shape_cast %broadcast_in_dim3A_216 : vector<128x1xf32> to vector<128x1xf32>
    %broadcast_in_dim3A_221 = vector.broadcast %broadcast_in_dim3A_220 : vector<128x1xf32> to vector<128x64xf32>
    %select_n3A_222 = arith.select %eq3A_219, %broadcast_in_dim3A_221, %select_n3A_212 : vector<128x64xi1>, vector<128x64xf32>
    %slice3A_223 = vector.extract_strided_slice %sqrt3A {offsets = [0, 2176], sizes = [128, 128], strides = [1, 1]} : vector<128x8192xf32> to vector<128x128xf32>
    %reduce_min3A_224 = arith.constant dense<0x7F800000> : vector<128xf32>
    %reduce_min3A_225 = vector.multi_reduction <minimumf>, %slice3A_223, %reduce_min3A_224 [1] : vector<128x128xf32> to vector<128xf32>
    %broadcast_in_dim3A_226 = vector.shape_cast %reduce_min3A_225 : vector<128xf32> to vector<128x1xf32>
    %eq3A_227 = arith.constant 17 : i32
    %eq3A_228 = vector.broadcast %eq3A_227 : i32 to vector<128x64xi32>
    %eq3A_229 = arith.cmpi eq, %iota3A, %eq3A_228 : vector<128x64xi32>
    %broadcast_in_dim3A_230 = vector.shape_cast %broadcast_in_dim3A_226 : vector<128x1xf32> to vector<128x1xf32>
    %broadcast_in_dim3A_231 = vector.broadcast %broadcast_in_dim3A_230 : vector<128x1xf32> to vector<128x64xf32>
    %select_n3A_232 = arith.select %eq3A_229, %broadcast_in_dim3A_231, %select_n3A_222 : vector<128x64xi1>, vector<128x64xf32>
    %slice3A_233 = vector.extract_strided_slice %sqrt3A {offsets = [0, 2304], sizes = [128, 128], strides = [1, 1]} : vector<128x8192xf32> to vector<128x128xf32>
    %reduce_min3A_234 = arith.constant dense<0x7F800000> : vector<128xf32>
    %reduce_min3A_235 = vector.multi_reduction <minimumf>, %slice3A_233, %reduce_min3A_234 [1] : vector<128x128xf32> to vector<128xf32>
    %broadcast_in_dim3A_236 = vector.shape_cast %reduce_min3A_235 : vector<128xf32> to vector<128x1xf32>
    %eq3A_237 = arith.constant 18 : i32
    %eq3A_238 = vector.broadcast %eq3A_237 : i32 to vector<128x64xi32>
    %eq3A_239 = arith.cmpi eq, %iota3A, %eq3A_238 : vector<128x64xi32>
    %broadcast_in_dim3A_240 = vector.shape_cast %broadcast_in_dim3A_236 : vector<128x1xf32> to vector<128x1xf32>
    %broadcast_in_dim3A_241 = vector.broadcast %broadcast_in_dim3A_240 : vector<128x1xf32> to vector<128x64xf32>
    %select_n3A_242 = arith.select %eq3A_239, %broadcast_in_dim3A_241, %select_n3A_232 : vector<128x64xi1>, vector<128x64xf32>
    %slice3A_243 = vector.extract_strided_slice %sqrt3A {offsets = [0, 2432], sizes = [128, 128], strides = [1, 1]} : vector<128x8192xf32> to vector<128x128xf32>
    %reduce_min3A_244 = arith.constant dense<0x7F800000> : vector<128xf32>
    %reduce_min3A_245 = vector.multi_reduction <minimumf>, %slice3A_243, %reduce_min3A_244 [1] : vector<128x128xf32> to vector<128xf32>
    %broadcast_in_dim3A_246 = vector.shape_cast %reduce_min3A_245 : vector<128xf32> to vector<128x1xf32>
    %eq3A_247 = arith.constant 19 : i32
    %eq3A_248 = vector.broadcast %eq3A_247 : i32 to vector<128x64xi32>
    %eq3A_249 = arith.cmpi eq, %iota3A, %eq3A_248 : vector<128x64xi32>
    %broadcast_in_dim3A_250 = vector.shape_cast %broadcast_in_dim3A_246 : vector<128x1xf32> to vector<128x1xf32>
    %broadcast_in_dim3A_251 = vector.broadcast %broadcast_in_dim3A_250 : vector<128x1xf32> to vector<128x64xf32>
    %select_n3A_252 = arith.select %eq3A_249, %broadcast_in_dim3A_251, %select_n3A_242 : vector<128x64xi1>, vector<128x64xf32>
    %slice3A_253 = vector.extract_strided_slice %sqrt3A {offsets = [0, 2560], sizes = [128, 128], strides = [1, 1]} : vector<128x8192xf32> to vector<128x128xf32>
    %reduce_min3A_254 = arith.constant dense<0x7F800000> : vector<128xf32>
    %reduce_min3A_255 = vector.multi_reduction <minimumf>, %slice3A_253, %reduce_min3A_254 [1] : vector<128x128xf32> to vector<128xf32>
    %broadcast_in_dim3A_256 = vector.shape_cast %reduce_min3A_255 : vector<128xf32> to vector<128x1xf32>
    %eq3A_257 = arith.constant 20 : i32
    %eq3A_258 = vector.broadcast %eq3A_257 : i32 to vector<128x64xi32>
    %eq3A_259 = arith.cmpi eq, %iota3A, %eq3A_258 : vector<128x64xi32>
    %broadcast_in_dim3A_260 = vector.shape_cast %broadcast_in_dim3A_256 : vector<128x1xf32> to vector<128x1xf32>
    %broadcast_in_dim3A_261 = vector.broadcast %broadcast_in_dim3A_260 : vector<128x1xf32> to vector<128x64xf32>
    %select_n3A_262 = arith.select %eq3A_259, %broadcast_in_dim3A_261, %select_n3A_252 : vector<128x64xi1>, vector<128x64xf32>
    %slice3A_263 = vector.extract_strided_slice %sqrt3A {offsets = [0, 2688], sizes = [128, 128], strides = [1, 1]} : vector<128x8192xf32> to vector<128x128xf32>
    %reduce_min3A_264 = arith.constant dense<0x7F800000> : vector<128xf32>
    %reduce_min3A_265 = vector.multi_reduction <minimumf>, %slice3A_263, %reduce_min3A_264 [1] : vector<128x128xf32> to vector<128xf32>
    %broadcast_in_dim3A_266 = vector.shape_cast %reduce_min3A_265 : vector<128xf32> to vector<128x1xf32>
    %eq3A_267 = arith.constant 21 : i32
    %eq3A_268 = vector.broadcast %eq3A_267 : i32 to vector<128x64xi32>
    %eq3A_269 = arith.cmpi eq, %iota3A, %eq3A_268 : vector<128x64xi32>
    %broadcast_in_dim3A_270 = vector.shape_cast %broadcast_in_dim3A_266 : vector<128x1xf32> to vector<128x1xf32>
    %broadcast_in_dim3A_271 = vector.broadcast %broadcast_in_dim3A_270 : vector<128x1xf32> to vector<128x64xf32>
    %select_n3A_272 = arith.select %eq3A_269, %broadcast_in_dim3A_271, %select_n3A_262 : vector<128x64xi1>, vector<128x64xf32>
    %slice3A_273 = vector.extract_strided_slice %sqrt3A {offsets = [0, 2816], sizes = [128, 128], strides = [1, 1]} : vector<128x8192xf32> to vector<128x128xf32>
    %reduce_min3A_274 = arith.constant dense<0x7F800000> : vector<128xf32>
    %reduce_min3A_275 = vector.multi_reduction <minimumf>, %slice3A_273, %reduce_min3A_274 [1] : vector<128x128xf32> to vector<128xf32>
    %broadcast_in_dim3A_276 = vector.shape_cast %reduce_min3A_275 : vector<128xf32> to vector<128x1xf32>
    %eq3A_277 = arith.constant 22 : i32
    %eq3A_278 = vector.broadcast %eq3A_277 : i32 to vector<128x64xi32>
    %eq3A_279 = arith.cmpi eq, %iota3A, %eq3A_278 : vector<128x64xi32>
    %broadcast_in_dim3A_280 = vector.shape_cast %broadcast_in_dim3A_276 : vector<128x1xf32> to vector<128x1xf32>
    %broadcast_in_dim3A_281 = vector.broadcast %broadcast_in_dim3A_280 : vector<128x1xf32> to vector<128x64xf32>
    %select_n3A_282 = arith.select %eq3A_279, %broadcast_in_dim3A_281, %select_n3A_272 : vector<128x64xi1>, vector<128x64xf32>
    %slice3A_283 = vector.extract_strided_slice %sqrt3A {offsets = [0, 2944], sizes = [128, 128], strides = [1, 1]} : vector<128x8192xf32> to vector<128x128xf32>
    %reduce_min3A_284 = arith.constant dense<0x7F800000> : vector<128xf32>
    %reduce_min3A_285 = vector.multi_reduction <minimumf>, %slice3A_283, %reduce_min3A_284 [1] : vector<128x128xf32> to vector<128xf32>
    %broadcast_in_dim3A_286 = vector.shape_cast %reduce_min3A_285 : vector<128xf32> to vector<128x1xf32>
    %eq3A_287 = arith.constant 23 : i32
    %eq3A_288 = vector.broadcast %eq3A_287 : i32 to vector<128x64xi32>
    %eq3A_289 = arith.cmpi eq, %iota3A, %eq3A_288 : vector<128x64xi32>
    %broadcast_in_dim3A_290 = vector.shape_cast %broadcast_in_dim3A_286 : vector<128x1xf32> to vector<128x1xf32>
    %broadcast_in_dim3A_291 = vector.broadcast %broadcast_in_dim3A_290 : vector<128x1xf32> to vector<128x64xf32>
    %select_n3A_292 = arith.select %eq3A_289, %broadcast_in_dim3A_291, %select_n3A_282 : vector<128x64xi1>, vector<128x64xf32>
    %slice3A_293 = vector.extract_strided_slice %sqrt3A {offsets = [0, 3072], sizes = [128, 128], strides = [1, 1]} : vector<128x8192xf32> to vector<128x128xf32>
    %reduce_min3A_294 = arith.constant dense<0x7F800000> : vector<128xf32>
    %reduce_min3A_295 = vector.multi_reduction <minimumf>, %slice3A_293, %reduce_min3A_294 [1] : vector<128x128xf32> to vector<128xf32>
    %broadcast_in_dim3A_296 = vector.shape_cast %reduce_min3A_295 : vector<128xf32> to vector<128x1xf32>
    %eq3A_297 = arith.constant 24 : i32
    %eq3A_298 = vector.broadcast %eq3A_297 : i32 to vector<128x64xi32>
    %eq3A_299 = arith.cmpi eq, %iota3A, %eq3A_298 : vector<128x64xi32>
    %broadcast_in_dim3A_300 = vector.shape_cast %broadcast_in_dim3A_296 : vector<128x1xf32> to vector<128x1xf32>
    %broadcast_in_dim3A_301 = vector.broadcast %broadcast_in_dim3A_300 : vector<128x1xf32> to vector<128x64xf32>
    %select_n3A_302 = arith.select %eq3A_299, %broadcast_in_dim3A_301, %select_n3A_292 : vector<128x64xi1>, vector<128x64xf32>
    %slice3A_303 = vector.extract_strided_slice %sqrt3A {offsets = [0, 3200], sizes = [128, 128], strides = [1, 1]} : vector<128x8192xf32> to vector<128x128xf32>
    %reduce_min3A_304 = arith.constant dense<0x7F800000> : vector<128xf32>
    %reduce_min3A_305 = vector.multi_reduction <minimumf>, %slice3A_303, %reduce_min3A_304 [1] : vector<128x128xf32> to vector<128xf32>
    %broadcast_in_dim3A_306 = vector.shape_cast %reduce_min3A_305 : vector<128xf32> to vector<128x1xf32>
    %eq3A_307 = arith.constant 25 : i32
    %eq3A_308 = vector.broadcast %eq3A_307 : i32 to vector<128x64xi32>
    %eq3A_309 = arith.cmpi eq, %iota3A, %eq3A_308 : vector<128x64xi32>
    %broadcast_in_dim3A_310 = vector.shape_cast %broadcast_in_dim3A_306 : vector<128x1xf32> to vector<128x1xf32>
    %broadcast_in_dim3A_311 = vector.broadcast %broadcast_in_dim3A_310 : vector<128x1xf32> to vector<128x64xf32>
    %select_n3A_312 = arith.select %eq3A_309, %broadcast_in_dim3A_311, %select_n3A_302 : vector<128x64xi1>, vector<128x64xf32>
    %slice3A_313 = vector.extract_strided_slice %sqrt3A {offsets = [0, 3328], sizes = [128, 128], strides = [1, 1]} : vector<128x8192xf32> to vector<128x128xf32>
    %reduce_min3A_314 = arith.constant dense<0x7F800000> : vector<128xf32>
    %reduce_min3A_315 = vector.multi_reduction <minimumf>, %slice3A_313, %reduce_min3A_314 [1] : vector<128x128xf32> to vector<128xf32>
    %broadcast_in_dim3A_316 = vector.shape_cast %reduce_min3A_315 : vector<128xf32> to vector<128x1xf32>
    %eq3A_317 = arith.constant 26 : i32
    %eq3A_318 = vector.broadcast %eq3A_317 : i32 to vector<128x64xi32>
    %eq3A_319 = arith.cmpi eq, %iota3A, %eq3A_318 : vector<128x64xi32>
    %broadcast_in_dim3A_320 = vector.shape_cast %broadcast_in_dim3A_316 : vector<128x1xf32> to vector<128x1xf32>
    %broadcast_in_dim3A_321 = vector.broadcast %broadcast_in_dim3A_320 : vector<128x1xf32> to vector<128x64xf32>
    %select_n3A_322 = arith.select %eq3A_319, %broadcast_in_dim3A_321, %select_n3A_312 : vector<128x64xi1>, vector<128x64xf32>
    %slice3A_323 = vector.extract_strided_slice %sqrt3A {offsets = [0, 3456], sizes = [128, 128], strides = [1, 1]} : vector<128x8192xf32> to vector<128x128xf32>
    %reduce_min3A_324 = arith.constant dense<0x7F800000> : vector<128xf32>
    %reduce_min3A_325 = vector.multi_reduction <minimumf>, %slice3A_323, %reduce_min3A_324 [1] : vector<128x128xf32> to vector<128xf32>
    %broadcast_in_dim3A_326 = vector.shape_cast %reduce_min3A_325 : vector<128xf32> to vector<128x1xf32>
    %eq3A_327 = arith.constant 27 : i32
    %eq3A_328 = vector.broadcast %eq3A_327 : i32 to vector<128x64xi32>
    %eq3A_329 = arith.cmpi eq, %iota3A, %eq3A_328 : vector<128x64xi32>
    %broadcast_in_dim3A_330 = vector.shape_cast %broadcast_in_dim3A_326 : vector<128x1xf32> to vector<128x1xf32>
    %broadcast_in_dim3A_331 = vector.broadcast %broadcast_in_dim3A_330 : vector<128x1xf32> to vector<128x64xf32>
    %select_n3A_332 = arith.select %eq3A_329, %broadcast_in_dim3A_331, %select_n3A_322 : vector<128x64xi1>, vector<128x64xf32>
    %slice3A_333 = vector.extract_strided_slice %sqrt3A {offsets = [0, 3584], sizes = [128, 128], strides = [1, 1]} : vector<128x8192xf32> to vector<128x128xf32>
    %reduce_min3A_334 = arith.constant dense<0x7F800000> : vector<128xf32>
    %reduce_min3A_335 = vector.multi_reduction <minimumf>, %slice3A_333, %reduce_min3A_334 [1] : vector<128x128xf32> to vector<128xf32>
    %broadcast_in_dim3A_336 = vector.shape_cast %reduce_min3A_335 : vector<128xf32> to vector<128x1xf32>
    %eq3A_337 = arith.constant 28 : i32
    %eq3A_338 = vector.broadcast %eq3A_337 : i32 to vector<128x64xi32>
    %eq3A_339 = arith.cmpi eq, %iota3A, %eq3A_338 : vector<128x64xi32>
    %broadcast_in_dim3A_340 = vector.shape_cast %broadcast_in_dim3A_336 : vector<128x1xf32> to vector<128x1xf32>
    %broadcast_in_dim3A_341 = vector.broadcast %broadcast_in_dim3A_340 : vector<128x1xf32> to vector<128x64xf32>
    %select_n3A_342 = arith.select %eq3A_339, %broadcast_in_dim3A_341, %select_n3A_332 : vector<128x64xi1>, vector<128x64xf32>
    %slice3A_343 = vector.extract_strided_slice %sqrt3A {offsets = [0, 3712], sizes = [128, 128], strides = [1, 1]} : vector<128x8192xf32> to vector<128x128xf32>
    %reduce_min3A_344 = arith.constant dense<0x7F800000> : vector<128xf32>
    %reduce_min3A_345 = vector.multi_reduction <minimumf>, %slice3A_343, %reduce_min3A_344 [1] : vector<128x128xf32> to vector<128xf32>
    %broadcast_in_dim3A_346 = vector.shape_cast %reduce_min3A_345 : vector<128xf32> to vector<128x1xf32>
    %eq3A_347 = arith.constant 29 : i32
    %eq3A_348 = vector.broadcast %eq3A_347 : i32 to vector<128x64xi32>
    %eq3A_349 = arith.cmpi eq, %iota3A, %eq3A_348 : vector<128x64xi32>
    %broadcast_in_dim3A_350 = vector.shape_cast %broadcast_in_dim3A_346 : vector<128x1xf32> to vector<128x1xf32>
    %broadcast_in_dim3A_351 = vector.broadcast %broadcast_in_dim3A_350 : vector<128x1xf32> to vector<128x64xf32>
    %select_n3A_352 = arith.select %eq3A_349, %broadcast_in_dim3A_351, %select_n3A_342 : vector<128x64xi1>, vector<128x64xf32>
    %slice3A_353 = vector.extract_strided_slice %sqrt3A {offsets = [0, 3840], sizes = [128, 128], strides = [1, 1]} : vector<128x8192xf32> to vector<128x128xf32>
    %reduce_min3A_354 = arith.constant dense<0x7F800000> : vector<128xf32>
    %reduce_min3A_355 = vector.multi_reduction <minimumf>, %slice3A_353, %reduce_min3A_354 [1] : vector<128x128xf32> to vector<128xf32>
    %broadcast_in_dim3A_356 = vector.shape_cast %reduce_min3A_355 : vector<128xf32> to vector<128x1xf32>
    %eq3A_357 = arith.constant 30 : i32
    %eq3A_358 = vector.broadcast %eq3A_357 : i32 to vector<128x64xi32>
    %eq3A_359 = arith.cmpi eq, %iota3A, %eq3A_358 : vector<128x64xi32>
    %broadcast_in_dim3A_360 = vector.shape_cast %broadcast_in_dim3A_356 : vector<128x1xf32> to vector<128x1xf32>
    %broadcast_in_dim3A_361 = vector.broadcast %broadcast_in_dim3A_360 : vector<128x1xf32> to vector<128x64xf32>
    %select_n3A_362 = arith.select %eq3A_359, %broadcast_in_dim3A_361, %select_n3A_352 : vector<128x64xi1>, vector<128x64xf32>
    %slice3A_363 = vector.extract_strided_slice %sqrt3A {offsets = [0, 3968], sizes = [128, 128], strides = [1, 1]} : vector<128x8192xf32> to vector<128x128xf32>
    %reduce_min3A_364 = arith.constant dense<0x7F800000> : vector<128xf32>
    %reduce_min3A_365 = vector.multi_reduction <minimumf>, %slice3A_363, %reduce_min3A_364 [1] : vector<128x128xf32> to vector<128xf32>
    %broadcast_in_dim3A_366 = vector.shape_cast %reduce_min3A_365 : vector<128xf32> to vector<128x1xf32>
    %eq3A_367 = arith.constant 31 : i32
    %eq3A_368 = vector.broadcast %eq3A_367 : i32 to vector<128x64xi32>
    %eq3A_369 = arith.cmpi eq, %iota3A, %eq3A_368 : vector<128x64xi32>
    %broadcast_in_dim3A_370 = vector.shape_cast %broadcast_in_dim3A_366 : vector<128x1xf32> to vector<128x1xf32>
    %broadcast_in_dim3A_371 = vector.broadcast %broadcast_in_dim3A_370 : vector<128x1xf32> to vector<128x64xf32>
    %select_n3A_372 = arith.select %eq3A_369, %broadcast_in_dim3A_371, %select_n3A_362 : vector<128x64xi1>, vector<128x64xf32>
    %slice3A_373 = vector.extract_strided_slice %sqrt3A {offsets = [0, 4096], sizes = [128, 128], strides = [1, 1]} : vector<128x8192xf32> to vector<128x128xf32>
    %reduce_min3A_374 = arith.constant dense<0x7F800000> : vector<128xf32>
    %reduce_min3A_375 = vector.multi_reduction <minimumf>, %slice3A_373, %reduce_min3A_374 [1] : vector<128x128xf32> to vector<128xf32>
    %broadcast_in_dim3A_376 = vector.shape_cast %reduce_min3A_375 : vector<128xf32> to vector<128x1xf32>
    %eq3A_377 = arith.constant 32 : i32
    %eq3A_378 = vector.broadcast %eq3A_377 : i32 to vector<128x64xi32>
    %eq3A_379 = arith.cmpi eq, %iota3A, %eq3A_378 : vector<128x64xi32>
    %broadcast_in_dim3A_380 = vector.shape_cast %broadcast_in_dim3A_376 : vector<128x1xf32> to vector<128x1xf32>
    %broadcast_in_dim3A_381 = vector.broadcast %broadcast_in_dim3A_380 : vector<128x1xf32> to vector<128x64xf32>
    %select_n3A_382 = arith.select %eq3A_379, %broadcast_in_dim3A_381, %select_n3A_372 : vector<128x64xi1>, vector<128x64xf32>
    %slice3A_383 = vector.extract_strided_slice %sqrt3A {offsets = [0, 4224], sizes = [128, 128], strides = [1, 1]} : vector<128x8192xf32> to vector<128x128xf32>
    %reduce_min3A_384 = arith.constant dense<0x7F800000> : vector<128xf32>
    %reduce_min3A_385 = vector.multi_reduction <minimumf>, %slice3A_383, %reduce_min3A_384 [1] : vector<128x128xf32> to vector<128xf32>
    %broadcast_in_dim3A_386 = vector.shape_cast %reduce_min3A_385 : vector<128xf32> to vector<128x1xf32>
    %eq3A_387 = arith.constant 33 : i32
    %eq3A_388 = vector.broadcast %eq3A_387 : i32 to vector<128x64xi32>
    %eq3A_389 = arith.cmpi eq, %iota3A, %eq3A_388 : vector<128x64xi32>
    %broadcast_in_dim3A_390 = vector.shape_cast %broadcast_in_dim3A_386 : vector<128x1xf32> to vector<128x1xf32>
    %broadcast_in_dim3A_391 = vector.broadcast %broadcast_in_dim3A_390 : vector<128x1xf32> to vector<128x64xf32>
    %select_n3A_392 = arith.select %eq3A_389, %broadcast_in_dim3A_391, %select_n3A_382 : vector<128x64xi1>, vector<128x64xf32>
    %slice3A_393 = vector.extract_strided_slice %sqrt3A {offsets = [0, 4352], sizes = [128, 128], strides = [1, 1]} : vector<128x8192xf32> to vector<128x128xf32>
    %reduce_min3A_394 = arith.constant dense<0x7F800000> : vector<128xf32>
    %reduce_min3A_395 = vector.multi_reduction <minimumf>, %slice3A_393, %reduce_min3A_394 [1] : vector<128x128xf32> to vector<128xf32>
    %broadcast_in_dim3A_396 = vector.shape_cast %reduce_min3A_395 : vector<128xf32> to vector<128x1xf32>
    %eq3A_397 = arith.constant 34 : i32
    %eq3A_398 = vector.broadcast %eq3A_397 : i32 to vector<128x64xi32>
    %eq3A_399 = arith.cmpi eq, %iota3A, %eq3A_398 : vector<128x64xi32>
    %broadcast_in_dim3A_400 = vector.shape_cast %broadcast_in_dim3A_396 : vector<128x1xf32> to vector<128x1xf32>
    %broadcast_in_dim3A_401 = vector.broadcast %broadcast_in_dim3A_400 : vector<128x1xf32> to vector<128x64xf32>
    %select_n3A_402 = arith.select %eq3A_399, %broadcast_in_dim3A_401, %select_n3A_392 : vector<128x64xi1>, vector<128x64xf32>
    %slice3A_403 = vector.extract_strided_slice %sqrt3A {offsets = [0, 4480], sizes = [128, 128], strides = [1, 1]} : vector<128x8192xf32> to vector<128x128xf32>
    %reduce_min3A_404 = arith.constant dense<0x7F800000> : vector<128xf32>
    %reduce_min3A_405 = vector.multi_reduction <minimumf>, %slice3A_403, %reduce_min3A_404 [1] : vector<128x128xf32> to vector<128xf32>
    %broadcast_in_dim3A_406 = vector.shape_cast %reduce_min3A_405 : vector<128xf32> to vector<128x1xf32>
    %eq3A_407 = arith.constant 35 : i32
    %eq3A_408 = vector.broadcast %eq3A_407 : i32 to vector<128x64xi32>
    %eq3A_409 = arith.cmpi eq, %iota3A, %eq3A_408 : vector<128x64xi32>
    %broadcast_in_dim3A_410 = vector.shape_cast %broadcast_in_dim3A_406 : vector<128x1xf32> to vector<128x1xf32>
    %broadcast_in_dim3A_411 = vector.broadcast %broadcast_in_dim3A_410 : vector<128x1xf32> to vector<128x64xf32>
    %select_n3A_412 = arith.select %eq3A_409, %broadcast_in_dim3A_411, %select_n3A_402 : vector<128x64xi1>, vector<128x64xf32>
    %slice3A_413 = vector.extract_strided_slice %sqrt3A {offsets = [0, 4608], sizes = [128, 128], strides = [1, 1]} : vector<128x8192xf32> to vector<128x128xf32>
    %reduce_min3A_414 = arith.constant dense<0x7F800000> : vector<128xf32>
    %reduce_min3A_415 = vector.multi_reduction <minimumf>, %slice3A_413, %reduce_min3A_414 [1] : vector<128x128xf32> to vector<128xf32>
    %broadcast_in_dim3A_416 = vector.shape_cast %reduce_min3A_415 : vector<128xf32> to vector<128x1xf32>
    %eq3A_417 = arith.constant 36 : i32
    %eq3A_418 = vector.broadcast %eq3A_417 : i32 to vector<128x64xi32>
    %eq3A_419 = arith.cmpi eq, %iota3A, %eq3A_418 : vector<128x64xi32>
    %broadcast_in_dim3A_420 = vector.shape_cast %broadcast_in_dim3A_416 : vector<128x1xf32> to vector<128x1xf32>
    %broadcast_in_dim3A_421 = vector.broadcast %broadcast_in_dim3A_420 : vector<128x1xf32> to vector<128x64xf32>
    %select_n3A_422 = arith.select %eq3A_419, %broadcast_in_dim3A_421, %select_n3A_412 : vector<128x64xi1>, vector<128x64xf32>
    %slice3A_423 = vector.extract_strided_slice %sqrt3A {offsets = [0, 4736], sizes = [128, 128], strides = [1, 1]} : vector<128x8192xf32> to vector<128x128xf32>
    %reduce_min3A_424 = arith.constant dense<0x7F800000> : vector<128xf32>
    %reduce_min3A_425 = vector.multi_reduction <minimumf>, %slice3A_423, %reduce_min3A_424 [1] : vector<128x128xf32> to vector<128xf32>
    %broadcast_in_dim3A_426 = vector.shape_cast %reduce_min3A_425 : vector<128xf32> to vector<128x1xf32>
    %eq3A_427 = arith.constant 37 : i32
    %eq3A_428 = vector.broadcast %eq3A_427 : i32 to vector<128x64xi32>
    %eq3A_429 = arith.cmpi eq, %iota3A, %eq3A_428 : vector<128x64xi32>
    %broadcast_in_dim3A_430 = vector.shape_cast %broadcast_in_dim3A_426 : vector<128x1xf32> to vector<128x1xf32>
    %broadcast_in_dim3A_431 = vector.broadcast %broadcast_in_dim3A_430 : vector<128x1xf32> to vector<128x64xf32>
    %select_n3A_432 = arith.select %eq3A_429, %broadcast_in_dim3A_431, %select_n3A_422 : vector<128x64xi1>, vector<128x64xf32>
    %slice3A_433 = vector.extract_strided_slice %sqrt3A {offsets = [0, 4864], sizes = [128, 128], strides = [1, 1]} : vector<128x8192xf32> to vector<128x128xf32>
    %reduce_min3A_434 = arith.constant dense<0x7F800000> : vector<128xf32>
    %reduce_min3A_435 = vector.multi_reduction <minimumf>, %slice3A_433, %reduce_min3A_434 [1] : vector<128x128xf32> to vector<128xf32>
    %broadcast_in_dim3A_436 = vector.shape_cast %reduce_min3A_435 : vector<128xf32> to vector<128x1xf32>
    %eq3A_437 = arith.constant 38 : i32
    %eq3A_438 = vector.broadcast %eq3A_437 : i32 to vector<128x64xi32>
    %eq3A_439 = arith.cmpi eq, %iota3A, %eq3A_438 : vector<128x64xi32>
    %broadcast_in_dim3A_440 = vector.shape_cast %broadcast_in_dim3A_436 : vector<128x1xf32> to vector<128x1xf32>
    %broadcast_in_dim3A_441 = vector.broadcast %broadcast_in_dim3A_440 : vector<128x1xf32> to vector<128x64xf32>
    %select_n3A_442 = arith.select %eq3A_439, %broadcast_in_dim3A_441, %select_n3A_432 : vector<128x64xi1>, vector<128x64xf32>
    %slice3A_443 = vector.extract_strided_slice %sqrt3A {offsets = [0, 4992], sizes = [128, 128], strides = [1, 1]} : vector<128x8192xf32> to vector<128x128xf32>
    %reduce_min3A_444 = arith.constant dense<0x7F800000> : vector<128xf32>
    %reduce_min3A_445 = vector.multi_reduction <minimumf>, %slice3A_443, %reduce_min3A_444 [1] : vector<128x128xf32> to vector<128xf32>
    %broadcast_in_dim3A_446 = vector.shape_cast %reduce_min3A_445 : vector<128xf32> to vector<128x1xf32>
    %eq3A_447 = arith.constant 39 : i32
    %eq3A_448 = vector.broadcast %eq3A_447 : i32 to vector<128x64xi32>
    %eq3A_449 = arith.cmpi eq, %iota3A, %eq3A_448 : vector<128x64xi32>
    %broadcast_in_dim3A_450 = vector.shape_cast %broadcast_in_dim3A_446 : vector<128x1xf32> to vector<128x1xf32>
    %broadcast_in_dim3A_451 = vector.broadcast %broadcast_in_dim3A_450 : vector<128x1xf32> to vector<128x64xf32>
    %select_n3A_452 = arith.select %eq3A_449, %broadcast_in_dim3A_451, %select_n3A_442 : vector<128x64xi1>, vector<128x64xf32>
    %slice3A_453 = vector.extract_strided_slice %sqrt3A {offsets = [0, 5120], sizes = [128, 128], strides = [1, 1]} : vector<128x8192xf32> to vector<128x128xf32>
    %reduce_min3A_454 = arith.constant dense<0x7F800000> : vector<128xf32>
    %reduce_min3A_455 = vector.multi_reduction <minimumf>, %slice3A_453, %reduce_min3A_454 [1] : vector<128x128xf32> to vector<128xf32>
    %broadcast_in_dim3A_456 = vector.shape_cast %reduce_min3A_455 : vector<128xf32> to vector<128x1xf32>
    %eq3A_457 = arith.constant 40 : i32
    %eq3A_458 = vector.broadcast %eq3A_457 : i32 to vector<128x64xi32>
    %eq3A_459 = arith.cmpi eq, %iota3A, %eq3A_458 : vector<128x64xi32>
    %broadcast_in_dim3A_460 = vector.shape_cast %broadcast_in_dim3A_456 : vector<128x1xf32> to vector<128x1xf32>
    %broadcast_in_dim3A_461 = vector.broadcast %broadcast_in_dim3A_460 : vector<128x1xf32> to vector<128x64xf32>
    %select_n3A_462 = arith.select %eq3A_459, %broadcast_in_dim3A_461, %select_n3A_452 : vector<128x64xi1>, vector<128x64xf32>
    %slice3A_463 = vector.extract_strided_slice %sqrt3A {offsets = [0, 5248], sizes = [128, 128], strides = [1, 1]} : vector<128x8192xf32> to vector<128x128xf32>
    %reduce_min3A_464 = arith.constant dense<0x7F800000> : vector<128xf32>
    %reduce_min3A_465 = vector.multi_reduction <minimumf>, %slice3A_463, %reduce_min3A_464 [1] : vector<128x128xf32> to vector<128xf32>
    %broadcast_in_dim3A_466 = vector.shape_cast %reduce_min3A_465 : vector<128xf32> to vector<128x1xf32>
    %eq3A_467 = arith.constant 41 : i32
    %eq3A_468 = vector.broadcast %eq3A_467 : i32 to vector<128x64xi32>
    %eq3A_469 = arith.cmpi eq, %iota3A, %eq3A_468 : vector<128x64xi32>
    %broadcast_in_dim3A_470 = vector.shape_cast %broadcast_in_dim3A_466 : vector<128x1xf32> to vector<128x1xf32>
    %broadcast_in_dim3A_471 = vector.broadcast %broadcast_in_dim3A_470 : vector<128x1xf32> to vector<128x64xf32>
    %select_n3A_472 = arith.select %eq3A_469, %broadcast_in_dim3A_471, %select_n3A_462 : vector<128x64xi1>, vector<128x64xf32>
    %slice3A_473 = vector.extract_strided_slice %sqrt3A {offsets = [0, 5376], sizes = [128, 128], strides = [1, 1]} : vector<128x8192xf32> to vector<128x128xf32>
    %reduce_min3A_474 = arith.constant dense<0x7F800000> : vector<128xf32>
    %reduce_min3A_475 = vector.multi_reduction <minimumf>, %slice3A_473, %reduce_min3A_474 [1] : vector<128x128xf32> to vector<128xf32>
    %broadcast_in_dim3A_476 = vector.shape_cast %reduce_min3A_475 : vector<128xf32> to vector<128x1xf32>
    %eq3A_477 = arith.constant 42 : i32
    %eq3A_478 = vector.broadcast %eq3A_477 : i32 to vector<128x64xi32>
    %eq3A_479 = arith.cmpi eq, %iota3A, %eq3A_478 : vector<128x64xi32>
    %broadcast_in_dim3A_480 = vector.shape_cast %broadcast_in_dim3A_476 : vector<128x1xf32> to vector<128x1xf32>
    %broadcast_in_dim3A_481 = vector.broadcast %broadcast_in_dim3A_480 : vector<128x1xf32> to vector<128x64xf32>
    %select_n3A_482 = arith.select %eq3A_479, %broadcast_in_dim3A_481, %select_n3A_472 : vector<128x64xi1>, vector<128x64xf32>
    %slice3A_483 = vector.extract_strided_slice %sqrt3A {offsets = [0, 5504], sizes = [128, 128], strides = [1, 1]} : vector<128x8192xf32> to vector<128x128xf32>
    %reduce_min3A_484 = arith.constant dense<0x7F800000> : vector<128xf32>
    %reduce_min3A_485 = vector.multi_reduction <minimumf>, %slice3A_483, %reduce_min3A_484 [1] : vector<128x128xf32> to vector<128xf32>
    %broadcast_in_dim3A_486 = vector.shape_cast %reduce_min3A_485 : vector<128xf32> to vector<128x1xf32>
    %eq3A_487 = arith.constant 43 : i32
    %eq3A_488 = vector.broadcast %eq3A_487 : i32 to vector<128x64xi32>
    %eq3A_489 = arith.cmpi eq, %iota3A, %eq3A_488 : vector<128x64xi32>
    %broadcast_in_dim3A_490 = vector.shape_cast %broadcast_in_dim3A_486 : vector<128x1xf32> to vector<128x1xf32>
    %broadcast_in_dim3A_491 = vector.broadcast %broadcast_in_dim3A_490 : vector<128x1xf32> to vector<128x64xf32>
    %select_n3A_492 = arith.select %eq3A_489, %broadcast_in_dim3A_491, %select_n3A_482 : vector<128x64xi1>, vector<128x64xf32>
    %slice3A_493 = vector.extract_strided_slice %sqrt3A {offsets = [0, 5632], sizes = [128, 128], strides = [1, 1]} : vector<128x8192xf32> to vector<128x128xf32>
    %reduce_min3A_494 = arith.constant dense<0x7F800000> : vector<128xf32>
    %reduce_min3A_495 = vector.multi_reduction <minimumf>, %slice3A_493, %reduce_min3A_494 [1] : vector<128x128xf32> to vector<128xf32>
    %broadcast_in_dim3A_496 = vector.shape_cast %reduce_min3A_495 : vector<128xf32> to vector<128x1xf32>
    %eq3A_497 = arith.constant 44 : i32
    %eq3A_498 = vector.broadcast %eq3A_497 : i32 to vector<128x64xi32>
    %eq3A_499 = arith.cmpi eq, %iota3A, %eq3A_498 : vector<128x64xi32>
    %broadcast_in_dim3A_500 = vector.shape_cast %broadcast_in_dim3A_496 : vector<128x1xf32> to vector<128x1xf32>
    %broadcast_in_dim3A_501 = vector.broadcast %broadcast_in_dim3A_500 : vector<128x1xf32> to vector<128x64xf32>
    %select_n3A_502 = arith.select %eq3A_499, %broadcast_in_dim3A_501, %select_n3A_492 : vector<128x64xi1>, vector<128x64xf32>
    %slice3A_503 = vector.extract_strided_slice %sqrt3A {offsets = [0, 5760], sizes = [128, 128], strides = [1, 1]} : vector<128x8192xf32> to vector<128x128xf32>
    %reduce_min3A_504 = arith.constant dense<0x7F800000> : vector<128xf32>
    %reduce_min3A_505 = vector.multi_reduction <minimumf>, %slice3A_503, %reduce_min3A_504 [1] : vector<128x128xf32> to vector<128xf32>
    %broadcast_in_dim3A_506 = vector.shape_cast %reduce_min3A_505 : vector<128xf32> to vector<128x1xf32>
    %eq3A_507 = arith.constant 45 : i32
    %eq3A_508 = vector.broadcast %eq3A_507 : i32 to vector<128x64xi32>
    %eq3A_509 = arith.cmpi eq, %iota3A, %eq3A_508 : vector<128x64xi32>
    %broadcast_in_dim3A_510 = vector.shape_cast %broadcast_in_dim3A_506 : vector<128x1xf32> to vector<128x1xf32>
    %broadcast_in_dim3A_511 = vector.broadcast %broadcast_in_dim3A_510 : vector<128x1xf32> to vector<128x64xf32>
    %select_n3A_512 = arith.select %eq3A_509, %broadcast_in_dim3A_511, %select_n3A_502 : vector<128x64xi1>, vector<128x64xf32>
    %slice3A_513 = vector.extract_strided_slice %sqrt3A {offsets = [0, 5888], sizes = [128, 128], strides = [1, 1]} : vector<128x8192xf32> to vector<128x128xf32>
    %reduce_min3A_514 = arith.constant dense<0x7F800000> : vector<128xf32>
    %reduce_min3A_515 = vector.multi_reduction <minimumf>, %slice3A_513, %reduce_min3A_514 [1] : vector<128x128xf32> to vector<128xf32>
    %broadcast_in_dim3A_516 = vector.shape_cast %reduce_min3A_515 : vector<128xf32> to vector<128x1xf32>
    %eq3A_517 = arith.constant 46 : i32
    %eq3A_518 = vector.broadcast %eq3A_517 : i32 to vector<128x64xi32>
    %eq3A_519 = arith.cmpi eq, %iota3A, %eq3A_518 : vector<128x64xi32>
    %broadcast_in_dim3A_520 = vector.shape_cast %broadcast_in_dim3A_516 : vector<128x1xf32> to vector<128x1xf32>
    %broadcast_in_dim3A_521 = vector.broadcast %broadcast_in_dim3A_520 : vector<128x1xf32> to vector<128x64xf32>
    %select_n3A_522 = arith.select %eq3A_519, %broadcast_in_dim3A_521, %select_n3A_512 : vector<128x64xi1>, vector<128x64xf32>
    %slice3A_523 = vector.extract_strided_slice %sqrt3A {offsets = [0, 6016], sizes = [128, 128], strides = [1, 1]} : vector<128x8192xf32> to vector<128x128xf32>
    %reduce_min3A_524 = arith.constant dense<0x7F800000> : vector<128xf32>
    %reduce_min3A_525 = vector.multi_reduction <minimumf>, %slice3A_523, %reduce_min3A_524 [1] : vector<128x128xf32> to vector<128xf32>
    %broadcast_in_dim3A_526 = vector.shape_cast %reduce_min3A_525 : vector<128xf32> to vector<128x1xf32>
    %eq3A_527 = arith.constant 47 : i32
    %eq3A_528 = vector.broadcast %eq3A_527 : i32 to vector<128x64xi32>
    %eq3A_529 = arith.cmpi eq, %iota3A, %eq3A_528 : vector<128x64xi32>
    %broadcast_in_dim3A_530 = vector.shape_cast %broadcast_in_dim3A_526 : vector<128x1xf32> to vector<128x1xf32>
    %broadcast_in_dim3A_531 = vector.broadcast %broadcast_in_dim3A_530 : vector<128x1xf32> to vector<128x64xf32>
    %select_n3A_532 = arith.select %eq3A_529, %broadcast_in_dim3A_531, %select_n3A_522 : vector<128x64xi1>, vector<128x64xf32>
    %slice3A_533 = vector.extract_strided_slice %sqrt3A {offsets = [0, 6144], sizes = [128, 128], strides = [1, 1]} : vector<128x8192xf32> to vector<128x128xf32>
    %reduce_min3A_534 = arith.constant dense<0x7F800000> : vector<128xf32>
    %reduce_min3A_535 = vector.multi_reduction <minimumf>, %slice3A_533, %reduce_min3A_534 [1] : vector<128x128xf32> to vector<128xf32>
    %broadcast_in_dim3A_536 = vector.shape_cast %reduce_min3A_535 : vector<128xf32> to vector<128x1xf32>
    %eq3A_537 = arith.constant 48 : i32
    %eq3A_538 = vector.broadcast %eq3A_537 : i32 to vector<128x64xi32>
    %eq3A_539 = arith.cmpi eq, %iota3A, %eq3A_538 : vector<128x64xi32>
    %broadcast_in_dim3A_540 = vector.shape_cast %broadcast_in_dim3A_536 : vector<128x1xf32> to vector<128x1xf32>
    %broadcast_in_dim3A_541 = vector.broadcast %broadcast_in_dim3A_540 : vector<128x1xf32> to vector<128x64xf32>
    %select_n3A_542 = arith.select %eq3A_539, %broadcast_in_dim3A_541, %select_n3A_532 : vector<128x64xi1>, vector<128x64xf32>
    %slice3A_543 = vector.extract_strided_slice %sqrt3A {offsets = [0, 6272], sizes = [128, 128], strides = [1, 1]} : vector<128x8192xf32> to vector<128x128xf32>
    %reduce_min3A_544 = arith.constant dense<0x7F800000> : vector<128xf32>
    %reduce_min3A_545 = vector.multi_reduction <minimumf>, %slice3A_543, %reduce_min3A_544 [1] : vector<128x128xf32> to vector<128xf32>
    %broadcast_in_dim3A_546 = vector.shape_cast %reduce_min3A_545 : vector<128xf32> to vector<128x1xf32>
    %eq3A_547 = arith.constant 49 : i32
    %eq3A_548 = vector.broadcast %eq3A_547 : i32 to vector<128x64xi32>
    %eq3A_549 = arith.cmpi eq, %iota3A, %eq3A_548 : vector<128x64xi32>
    %broadcast_in_dim3A_550 = vector.shape_cast %broadcast_in_dim3A_546 : vector<128x1xf32> to vector<128x1xf32>
    %broadcast_in_dim3A_551 = vector.broadcast %broadcast_in_dim3A_550 : vector<128x1xf32> to vector<128x64xf32>
    %select_n3A_552 = arith.select %eq3A_549, %broadcast_in_dim3A_551, %select_n3A_542 : vector<128x64xi1>, vector<128x64xf32>
    %slice3A_553 = vector.extract_strided_slice %sqrt3A {offsets = [0, 6400], sizes = [128, 128], strides = [1, 1]} : vector<128x8192xf32> to vector<128x128xf32>
    %reduce_min3A_554 = arith.constant dense<0x7F800000> : vector<128xf32>
    %reduce_min3A_555 = vector.multi_reduction <minimumf>, %slice3A_553, %reduce_min3A_554 [1] : vector<128x128xf32> to vector<128xf32>
    %broadcast_in_dim3A_556 = vector.shape_cast %reduce_min3A_555 : vector<128xf32> to vector<128x1xf32>
    %eq3A_557 = arith.constant 50 : i32
    %eq3A_558 = vector.broadcast %eq3A_557 : i32 to vector<128x64xi32>
    %eq3A_559 = arith.cmpi eq, %iota3A, %eq3A_558 : vector<128x64xi32>
    %broadcast_in_dim3A_560 = vector.shape_cast %broadcast_in_dim3A_556 : vector<128x1xf32> to vector<128x1xf32>
    %broadcast_in_dim3A_561 = vector.broadcast %broadcast_in_dim3A_560 : vector<128x1xf32> to vector<128x64xf32>
    %select_n3A_562 = arith.select %eq3A_559, %broadcast_in_dim3A_561, %select_n3A_552 : vector<128x64xi1>, vector<128x64xf32>
    %slice3A_563 = vector.extract_strided_slice %sqrt3A {offsets = [0, 6528], sizes = [128, 128], strides = [1, 1]} : vector<128x8192xf32> to vector<128x128xf32>
    %reduce_min3A_564 = arith.constant dense<0x7F800000> : vector<128xf32>
    %reduce_min3A_565 = vector.multi_reduction <minimumf>, %slice3A_563, %reduce_min3A_564 [1] : vector<128x128xf32> to vector<128xf32>
    %broadcast_in_dim3A_566 = vector.shape_cast %reduce_min3A_565 : vector<128xf32> to vector<128x1xf32>
    %eq3A_567 = arith.constant 51 : i32
    %eq3A_568 = vector.broadcast %eq3A_567 : i32 to vector<128x64xi32>
    %eq3A_569 = arith.cmpi eq, %iota3A, %eq3A_568 : vector<128x64xi32>
    %broadcast_in_dim3A_570 = vector.shape_cast %broadcast_in_dim3A_566 : vector<128x1xf32> to vector<128x1xf32>
    %broadcast_in_dim3A_571 = vector.broadcast %broadcast_in_dim3A_570 : vector<128x1xf32> to vector<128x64xf32>
    %select_n3A_572 = arith.select %eq3A_569, %broadcast_in_dim3A_571, %select_n3A_562 : vector<128x64xi1>, vector<128x64xf32>
    %slice3A_573 = vector.extract_strided_slice %sqrt3A {offsets = [0, 6656], sizes = [128, 128], strides = [1, 1]} : vector<128x8192xf32> to vector<128x128xf32>
    %reduce_min3A_574 = arith.constant dense<0x7F800000> : vector<128xf32>
    %reduce_min3A_575 = vector.multi_reduction <minimumf>, %slice3A_573, %reduce_min3A_574 [1] : vector<128x128xf32> to vector<128xf32>
    %broadcast_in_dim3A_576 = vector.shape_cast %reduce_min3A_575 : vector<128xf32> to vector<128x1xf32>
    %eq3A_577 = arith.constant 52 : i32
    %eq3A_578 = vector.broadcast %eq3A_577 : i32 to vector<128x64xi32>
    %eq3A_579 = arith.cmpi eq, %iota3A, %eq3A_578 : vector<128x64xi32>
    %broadcast_in_dim3A_580 = vector.shape_cast %broadcast_in_dim3A_576 : vector<128x1xf32> to vector<128x1xf32>
    %broadcast_in_dim3A_581 = vector.broadcast %broadcast_in_dim3A_580 : vector<128x1xf32> to vector<128x64xf32>
    %select_n3A_582 = arith.select %eq3A_579, %broadcast_in_dim3A_581, %select_n3A_572 : vector<128x64xi1>, vector<128x64xf32>
    %slice3A_583 = vector.extract_strided_slice %sqrt3A {offsets = [0, 6784], sizes = [128, 128], strides = [1, 1]} : vector<128x8192xf32> to vector<128x128xf32>
    %reduce_min3A_584 = arith.constant dense<0x7F800000> : vector<128xf32>
    %reduce_min3A_585 = vector.multi_reduction <minimumf>, %slice3A_583, %reduce_min3A_584 [1] : vector<128x128xf32> to vector<128xf32>
    %broadcast_in_dim3A_586 = vector.shape_cast %reduce_min3A_585 : vector<128xf32> to vector<128x1xf32>
    %eq3A_587 = arith.constant 53 : i32
    %eq3A_588 = vector.broadcast %eq3A_587 : i32 to vector<128x64xi32>
    %eq3A_589 = arith.cmpi eq, %iota3A, %eq3A_588 : vector<128x64xi32>
    %broadcast_in_dim3A_590 = vector.shape_cast %broadcast_in_dim3A_586 : vector<128x1xf32> to vector<128x1xf32>
    %broadcast_in_dim3A_591 = vector.broadcast %broadcast_in_dim3A_590 : vector<128x1xf32> to vector<128x64xf32>
    %select_n3A_592 = arith.select %eq3A_589, %broadcast_in_dim3A_591, %select_n3A_582 : vector<128x64xi1>, vector<128x64xf32>
    %slice3A_593 = vector.extract_strided_slice %sqrt3A {offsets = [0, 6912], sizes = [128, 128], strides = [1, 1]} : vector<128x8192xf32> to vector<128x128xf32>
    %reduce_min3A_594 = arith.constant dense<0x7F800000> : vector<128xf32>
    %reduce_min3A_595 = vector.multi_reduction <minimumf>, %slice3A_593, %reduce_min3A_594 [1] : vector<128x128xf32> to vector<128xf32>
    %broadcast_in_dim3A_596 = vector.shape_cast %reduce_min3A_595 : vector<128xf32> to vector<128x1xf32>
    %eq3A_597 = arith.constant 54 : i32
    %eq3A_598 = vector.broadcast %eq3A_597 : i32 to vector<128x64xi32>
    %eq3A_599 = arith.cmpi eq, %iota3A, %eq3A_598 : vector<128x64xi32>
    %broadcast_in_dim3A_600 = vector.shape_cast %broadcast_in_dim3A_596 : vector<128x1xf32> to vector<128x1xf32>
    %broadcast_in_dim3A_601 = vector.broadcast %broadcast_in_dim3A_600 : vector<128x1xf32> to vector<128x64xf32>
    %select_n3A_602 = arith.select %eq3A_599, %broadcast_in_dim3A_601, %select_n3A_592 : vector<128x64xi1>, vector<128x64xf32>
    %slice3A_603 = vector.extract_strided_slice %sqrt3A {offsets = [0, 7040], sizes = [128, 128], strides = [1, 1]} : vector<128x8192xf32> to vector<128x128xf32>
    %reduce_min3A_604 = arith.constant dense<0x7F800000> : vector<128xf32>
    %reduce_min3A_605 = vector.multi_reduction <minimumf>, %slice3A_603, %reduce_min3A_604 [1] : vector<128x128xf32> to vector<128xf32>
    %broadcast_in_dim3A_606 = vector.shape_cast %reduce_min3A_605 : vector<128xf32> to vector<128x1xf32>
    %eq3A_607 = arith.constant 55 : i32
    %eq3A_608 = vector.broadcast %eq3A_607 : i32 to vector<128x64xi32>
    %eq3A_609 = arith.cmpi eq, %iota3A, %eq3A_608 : vector<128x64xi32>
    %broadcast_in_dim3A_610 = vector.shape_cast %broadcast_in_dim3A_606 : vector<128x1xf32> to vector<128x1xf32>
    %broadcast_in_dim3A_611 = vector.broadcast %broadcast_in_dim3A_610 : vector<128x1xf32> to vector<128x64xf32>
    %select_n3A_612 = arith.select %eq3A_609, %broadcast_in_dim3A_611, %select_n3A_602 : vector<128x64xi1>, vector<128x64xf32>
    %slice3A_613 = vector.extract_strided_slice %sqrt3A {offsets = [0, 7168], sizes = [128, 128], strides = [1, 1]} : vector<128x8192xf32> to vector<128x128xf32>
    %reduce_min3A_614 = arith.constant dense<0x7F800000> : vector<128xf32>
    %reduce_min3A_615 = vector.multi_reduction <minimumf>, %slice3A_613, %reduce_min3A_614 [1] : vector<128x128xf32> to vector<128xf32>
    %broadcast_in_dim3A_616 = vector.shape_cast %reduce_min3A_615 : vector<128xf32> to vector<128x1xf32>
    %eq3A_617 = arith.constant 56 : i32
    %eq3A_618 = vector.broadcast %eq3A_617 : i32 to vector<128x64xi32>
    %eq3A_619 = arith.cmpi eq, %iota3A, %eq3A_618 : vector<128x64xi32>
    %broadcast_in_dim3A_620 = vector.shape_cast %broadcast_in_dim3A_616 : vector<128x1xf32> to vector<128x1xf32>
    %broadcast_in_dim3A_621 = vector.broadcast %broadcast_in_dim3A_620 : vector<128x1xf32> to vector<128x64xf32>
    %select_n3A_622 = arith.select %eq3A_619, %broadcast_in_dim3A_621, %select_n3A_612 : vector<128x64xi1>, vector<128x64xf32>
    %slice3A_623 = vector.extract_strided_slice %sqrt3A {offsets = [0, 7296], sizes = [128, 128], strides = [1, 1]} : vector<128x8192xf32> to vector<128x128xf32>
    %reduce_min3A_624 = arith.constant dense<0x7F800000> : vector<128xf32>
    %reduce_min3A_625 = vector.multi_reduction <minimumf>, %slice3A_623, %reduce_min3A_624 [1] : vector<128x128xf32> to vector<128xf32>
    %broadcast_in_dim3A_626 = vector.shape_cast %reduce_min3A_625 : vector<128xf32> to vector<128x1xf32>
    %eq3A_627 = arith.constant 57 : i32
    %eq3A_628 = vector.broadcast %eq3A_627 : i32 to vector<128x64xi32>
    %eq3A_629 = arith.cmpi eq, %iota3A, %eq3A_628 : vector<128x64xi32>
    %broadcast_in_dim3A_630 = vector.shape_cast %broadcast_in_dim3A_626 : vector<128x1xf32> to vector<128x1xf32>
    %broadcast_in_dim3A_631 = vector.broadcast %broadcast_in_dim3A_630 : vector<128x1xf32> to vector<128x64xf32>
    %select_n3A_632 = arith.select %eq3A_629, %broadcast_in_dim3A_631, %select_n3A_622 : vector<128x64xi1>, vector<128x64xf32>
    %slice3A_633 = vector.extract_strided_slice %sqrt3A {offsets = [0, 7424], sizes = [128, 128], strides = [1, 1]} : vector<128x8192xf32> to vector<128x128xf32>
    %reduce_min3A_634 = arith.constant dense<0x7F800000> : vector<128xf32>
    %reduce_min3A_635 = vector.multi_reduction <minimumf>, %slice3A_633, %reduce_min3A_634 [1] : vector<128x128xf32> to vector<128xf32>
    %broadcast_in_dim3A_636 = vector.shape_cast %reduce_min3A_635 : vector<128xf32> to vector<128x1xf32>
    %eq3A_637 = arith.constant 58 : i32
    %eq3A_638 = vector.broadcast %eq3A_637 : i32 to vector<128x64xi32>
    %eq3A_639 = arith.cmpi eq, %iota3A, %eq3A_638 : vector<128x64xi32>
    %broadcast_in_dim3A_640 = vector.shape_cast %broadcast_in_dim3A_636 : vector<128x1xf32> to vector<128x1xf32>
    %broadcast_in_dim3A_641 = vector.broadcast %broadcast_in_dim3A_640 : vector<128x1xf32> to vector<128x64xf32>
    %select_n3A_642 = arith.select %eq3A_639, %broadcast_in_dim3A_641, %select_n3A_632 : vector<128x64xi1>, vector<128x64xf32>
    %slice3A_643 = vector.extract_strided_slice %sqrt3A {offsets = [0, 7552], sizes = [128, 128], strides = [1, 1]} : vector<128x8192xf32> to vector<128x128xf32>
    %reduce_min3A_644 = arith.constant dense<0x7F800000> : vector<128xf32>
    %reduce_min3A_645 = vector.multi_reduction <minimumf>, %slice3A_643, %reduce_min3A_644 [1] : vector<128x128xf32> to vector<128xf32>
    %broadcast_in_dim3A_646 = vector.shape_cast %reduce_min3A_645 : vector<128xf32> to vector<128x1xf32>
    %eq3A_647 = arith.constant 59 : i32
    %eq3A_648 = vector.broadcast %eq3A_647 : i32 to vector<128x64xi32>
    %eq3A_649 = arith.cmpi eq, %iota3A, %eq3A_648 : vector<128x64xi32>
    %broadcast_in_dim3A_650 = vector.shape_cast %broadcast_in_dim3A_646 : vector<128x1xf32> to vector<128x1xf32>
    %broadcast_in_dim3A_651 = vector.broadcast %broadcast_in_dim3A_650 : vector<128x1xf32> to vector<128x64xf32>
    %select_n3A_652 = arith.select %eq3A_649, %broadcast_in_dim3A_651, %select_n3A_642 : vector<128x64xi1>, vector<128x64xf32>
    %slice3A_653 = vector.extract_strided_slice %sqrt3A {offsets = [0, 7680], sizes = [128, 128], strides = [1, 1]} : vector<128x8192xf32> to vector<128x128xf32>
    %reduce_min3A_654 = arith.constant dense<0x7F800000> : vector<128xf32>
    %reduce_min3A_655 = vector.multi_reduction <minimumf>, %slice3A_653, %reduce_min3A_654 [1] : vector<128x128xf32> to vector<128xf32>
    %broadcast_in_dim3A_656 = vector.shape_cast %reduce_min3A_655 : vector<128xf32> to vector<128x1xf32>
    %eq3A_657 = arith.constant 60 : i32
    %eq3A_658 = vector.broadcast %eq3A_657 : i32 to vector<128x64xi32>
    %eq3A_659 = arith.cmpi eq, %iota3A, %eq3A_658 : vector<128x64xi32>
    %broadcast_in_dim3A_660 = vector.shape_cast %broadcast_in_dim3A_656 : vector<128x1xf32> to vector<128x1xf32>
    %broadcast_in_dim3A_661 = vector.broadcast %broadcast_in_dim3A_660 : vector<128x1xf32> to vector<128x64xf32>
    %select_n3A_662 = arith.select %eq3A_659, %broadcast_in_dim3A_661, %select_n3A_652 : vector<128x64xi1>, vector<128x64xf32>
    %slice3A_663 = vector.extract_strided_slice %sqrt3A {offsets = [0, 7808], sizes = [128, 128], strides = [1, 1]} : vector<128x8192xf32> to vector<128x128xf32>
    %reduce_min3A_664 = arith.constant dense<0x7F800000> : vector<128xf32>
    %reduce_min3A_665 = vector.multi_reduction <minimumf>, %slice3A_663, %reduce_min3A_664 [1] : vector<128x128xf32> to vector<128xf32>
    %broadcast_in_dim3A_666 = vector.shape_cast %reduce_min3A_665 : vector<128xf32> to vector<128x1xf32>
    %eq3A_667 = arith.constant 61 : i32
    %eq3A_668 = vector.broadcast %eq3A_667 : i32 to vector<128x64xi32>
    %eq3A_669 = arith.cmpi eq, %iota3A, %eq3A_668 : vector<128x64xi32>
    %broadcast_in_dim3A_670 = vector.shape_cast %broadcast_in_dim3A_666 : vector<128x1xf32> to vector<128x1xf32>
    %broadcast_in_dim3A_671 = vector.broadcast %broadcast_in_dim3A_670 : vector<128x1xf32> to vector<128x64xf32>
    %select_n3A_672 = arith.select %eq3A_669, %broadcast_in_dim3A_671, %select_n3A_662 : vector<128x64xi1>, vector<128x64xf32>
    %slice3A_673 = vector.extract_strided_slice %sqrt3A {offsets = [0, 7936], sizes = [128, 128], strides = [1, 1]} : vector<128x8192xf32> to vector<128x128xf32>
    %reduce_min3A_674 = arith.constant dense<0x7F800000> : vector<128xf32>
    %reduce_min3A_675 = vector.multi_reduction <minimumf>, %slice3A_673, %reduce_min3A_674 [1] : vector<128x128xf32> to vector<128xf32>
    %broadcast_in_dim3A_676 = vector.shape_cast %reduce_min3A_675 : vector<128xf32> to vector<128x1xf32>
    %eq3A_677 = arith.constant 62 : i32
    %eq3A_678 = vector.broadcast %eq3A_677 : i32 to vector<128x64xi32>
    %eq3A_679 = arith.cmpi eq, %iota3A, %eq3A_678 : vector<128x64xi32>
    %broadcast_in_dim3A_680 = vector.shape_cast %broadcast_in_dim3A_676 : vector<128x1xf32> to vector<128x1xf32>
    %broadcast_in_dim3A_681 = vector.broadcast %broadcast_in_dim3A_680 : vector<128x1xf32> to vector<128x64xf32>
    %select_n3A_682 = arith.select %eq3A_679, %broadcast_in_dim3A_681, %select_n3A_672 : vector<128x64xi1>, vector<128x64xf32>
    %slice3A_683 = vector.extract_strided_slice %sqrt3A {offsets = [0, 8064], sizes = [128, 128], strides = [1, 1]} : vector<128x8192xf32> to vector<128x128xf32>
    %reduce_min3A_684 = arith.constant dense<0x7F800000> : vector<128xf32>
    %reduce_min3A_685 = vector.multi_reduction <minimumf>, %slice3A_683, %reduce_min3A_684 [1] : vector<128x128xf32> to vector<128xf32>
    %broadcast_in_dim3A_686 = vector.shape_cast %reduce_min3A_685 : vector<128xf32> to vector<128x1xf32>
    %eq3A_687 = arith.constant 63 : i32
    %eq3A_688 = vector.broadcast %eq3A_687 : i32 to vector<128x64xi32>
    %eq3A_689 = arith.cmpi eq, %iota3A, %eq3A_688 : vector<128x64xi32>
    %broadcast_in_dim3A_690 = vector.shape_cast %broadcast_in_dim3A_686 : vector<128x1xf32> to vector<128x1xf32>
    %broadcast_in_dim3A_691 = vector.broadcast %broadcast_in_dim3A_690 : vector<128x1xf32> to vector<128x64xf32>
    %select_n3A_692 = arith.select %eq3A_689, %broadcast_in_dim3A_691, %select_n3A_682 : vector<128x64xi1>, vector<128x64xf32>
    %broadcast_in_dim3A_693 = arith.constant 0.000000e+00 : f32
    %broadcast_in_dim3A_694 = vector.broadcast %broadcast_in_dim3A_693 : f32 to vector<128x1xf32>
    %scan3A = arith.constant 0x7F800000 : f32
    %scan3A_695 = arith.constant 0 : i32
    %scan3A_696 = arith.constant 32 : i32
    %scan3A_697 = arith.addi %scan3A_695, %scan3A_696 : i32
    %scan3A_698 = arith.constant 1 : i32
    %scan3A_699:2 = scf.for %scan3A_706 = %scan3A_695 to %scan3A_697 step %scan3A_698 iter_args(%scan3A_707 = %select_n3A_692, %scan3A_708 = %broadcast_in_dim3A_694) -> (vector<128x64xf32>, vector<128x1xf32>)  : i32 {
      %reduce_min3A_709 = arith.constant dense<0x7F800000> : vector<128xf32>
      %reduce_min3A_710 = vector.multi_reduction <minimumf>, %scan3A_707, %reduce_min3A_709 [1] : vector<128x64xf32> to vector<128xf32>
      %broadcast_in_dim3A_711 = vector.shape_cast %reduce_min3A_710 : vector<128xf32> to vector<128x1xf32>
      %eq3A_712 = vector.broadcast %broadcast_in_dim3A_711 : vector<128x1xf32> to vector<128x64xf32>
      %eq3A_713 = arith.cmpf oeq, %scan3A_707, %eq3A_712 : vector<128x64xf32>
      %jit3A = arith.constant 64 : i32
      %broadcast_in_dim3A_714 = vector.broadcast %jit3A : i32 to vector<128x64xi32>
      %select_n3A_715 = arith.select %eq3A_713, %iota3A, %broadcast_in_dim3A_714 : vector<128x64xi1>, vector<128x64xi32>
      %reduce_min3A_716 = arith.constant dense<2147483647> : vector<128xi32>
      %reduce_min3A_717 = vector.multi_reduction <minsi>, %select_n3A_715, %reduce_min3A_716 [1] : vector<128x64xi32> to vector<128xi32>
      %broadcast_in_dim3A_718 = vector.shape_cast %reduce_min3A_717 : vector<128xi32> to vector<128x1xi32>
      %eq3A_719 = vector.broadcast %broadcast_in_dim3A_718 : vector<128x1xi32> to vector<128x64xi32>
      %eq3A_720 = arith.cmpi eq, %iota3A, %eq3A_719 : vector<128x64xi32>
      %broadcast_in_dim3A_721 = vector.broadcast %scan3A : f32 to vector<128x64xf32>
      %select_n3A_722 = arith.select %eq3A_720, %broadcast_in_dim3A_721, %scan3A_707 : vector<128x64xi1>, vector<128x64xf32>
      scf.yield %select_n3A_722, %broadcast_in_dim3A_711 : vector<128x64xf32>, vector<128x1xf32>
    }
    %swap3A_700 = arith.constant 0 : index
    %swap3A_701 = arith.constant 0 : index
    %swap3A_702 = arith.constant 0 : index
    %swap3A_703 = vector.load %arg5[%swap3A_700, %swap3A_701, %swap3A_702] : memref<1x128x1xf32, #tpu.memory_space<vmem>>, vector<1x128x1xf32>
    %swap3A_704 = vector.shape_cast %swap3A_703 : vector<1x128x1xf32> to vector<128x1xf32>
    %swap3A_705 = vector.shape_cast %scan3A_699#1 : vector<128x1xf32> to vector<1x128x1xf32>
    tpu.vector_store %arg5[%swap3A_700, %swap3A_701, %swap3A_702], %swap3A_705 {strides = array<i32>} : memref<1x128x1xf32, #tpu.memory_space<vmem>>, vector<1x128x1xf32>,
    return
  }
  func.func @transform_0(%arg0: i32, %arg1: i32) -> (i32, i32, i32) {
    %c0_i32 = arith.constant 0 : i32
    %c0_i32_0 = arith.constant 0 : i32
    return %arg0, %c0_i32, %arg1 : i32, i32, i32
  }
  func.func @transform_1(%arg0: i32, %arg1: i32) -> (i32, i32, i32) {
    %c0_i32 = arith.constant 0 : i32
    %c0_i32_0 = arith.constant 0 : i32
    %c0_i32_1 = arith.constant 0 : i32
    return %arg0, %c0_i32, %c0_i32_0 : i32, i32, i32
  }
  func.func @transform_2(%arg0: i32, %arg1: i32) -> (i32, i32, i32) {
    %c0_i32 = arith.constant 0 : i32
    %c0_i32_0 = arith.constant 0 : i32
    return %arg0, %arg1, %c0_i32 : i32, i32, i32
  }
  func.func @transform_3(%arg0: i32, %arg1: i32) -> (i32, i32, i32) {
    %c0_i32 = arith.constant 0 : i32
    %c0_i32_0 = arith.constant 0 : i32
    return %arg0, %arg1, %c0_i32 : i32, i32, i32
  }
}

module attributes {stable_mosaic.version = 14 : i64} {
  func.func @_fps_body(%arg0: memref<8x3x8192xf32, #tpu.memory_space<vmem>>, %arg1: memref<8x1xi32, #tpu.memory_space<vmem>>, %arg2: memref<8x512xi32, #tpu.memory_space<vmem>>, %arg3: memref<8x3x512xf32, #tpu.memory_space<vmem>>) attributes {dimension_semantics = [], scalar_prefetch = 0 : i64, scratch_operands = 0 : i64, tpu.core_type = #tpu.core_type<tc>} {
    %get3A = arith.constant 0 : index
    %get3A_0 = arith.constant 0 : index
    %get3A_1 = arith.constant 0 : index
    %get3A_2 = vector.load %arg0[%get3A, %get3A_0, %get3A_1] : memref<8x3x8192xf32, #tpu.memory_space<vmem>>, vector<8x1x8192xf32>
    %get3A_3 = vector.shape_cast %get3A_2 : vector<8x1x8192xf32> to vector<8x8192xf32>
    %get3A_4 = arith.constant 0 : index
    %get3A_5 = arith.constant 1 : index
    %get3A_6 = arith.constant 0 : index
    %get3A_7 = vector.load %arg0[%get3A_4, %get3A_5, %get3A_6] : memref<8x3x8192xf32, #tpu.memory_space<vmem>>, vector<8x1x8192xf32>
    %get3A_8 = vector.shape_cast %get3A_7 : vector<8x1x8192xf32> to vector<8x8192xf32>
    %get3A_9 = arith.constant 0 : index
    %get3A_10 = arith.constant 2 : index
    %get3A_11 = arith.constant 0 : index
    %get3A_12 = vector.load %arg0[%get3A_9, %get3A_10, %get3A_11] : memref<8x3x8192xf32, #tpu.memory_space<vmem>>, vector<8x1x8192xf32>
    %get3A_13 = vector.shape_cast %get3A_12 : vector<8x1x8192xf32> to vector<8x8192xf32>
    %iota3A = tpu.iota {dimensions = array<i32: 1>} : vector<8x8192xi32>
    %iota3A_14 = tpu.iota {dimensions = array<i32: 1>} : vector<8x512xi32>
    %broadcast_in_dim3A = arith.constant 1.000000e+10 : f32
    %broadcast_in_dim3A_15 = vector.broadcast %broadcast_in_dim3A : f32 to vector<8x8192xf32>
    %get3A_16 = arith.constant 0 : index
    %get3A_17 = arith.constant 0 : index
    %get3A_18 = vector.load %arg1[%get3A_16, %get3A_17] : memref<8x1xi32, #tpu.memory_space<vmem>>, vector<8x1xi32>
    %broadcast_in_dim3A_19 = arith.constant 0.000000e+00 : f32
    %broadcast_in_dim3A_20 = vector.broadcast %broadcast_in_dim3A_19 : f32 to vector<8x512xf32>
    %broadcast_in_dim3A_21 = arith.constant 0 : i32
    %broadcast_in_dim3A_22 = vector.broadcast %broadcast_in_dim3A_21 : i32 to vector<8x512xi32>
    %scan3A = arith.constant 0 : i32
    %scan3A_23 = arith.constant 512 : i32
    %scan3A_24 = arith.addi %scan3A, %scan3A_23 : i32
    %scan3A_25 = arith.constant 1 : i32
    %scan3A_26:6 = scf.for %scan3A_48 = %scan3A to %scan3A_24 step %scan3A_25 iter_args(%scan3A_49 = %broadcast_in_dim3A_15, %scan3A_50 = %get3A_18, %scan3A_51 = %broadcast_in_dim3A_22, %scan3A_52 = %broadcast_in_dim3A_20, %scan3A_53 = %broadcast_in_dim3A_20, %scan3A_54 = %broadcast_in_dim3A_20) -> (vector<8x8192xf32>, vector<8x1xi32>, vector<8x512xi32>, vector<8x512xf32>, vector<8x512xf32>, vector<8x512xf32>)  : i32 {
      %eq3A = vector.broadcast %scan3A_50 : vector<8x1xi32> to vector<8x8192xi32>
      %eq3A_55 = arith.cmpi eq, %iota3A, %eq3A : vector<8x8192xi32>
      %jit3A = arith.constant 0.000000e+00 : f32
      %broadcast_in_dim3A_56 = vector.broadcast %jit3A : f32 to vector<8x8192xf32>
      %select_n3A = arith.select %eq3A_55, %get3A_3, %broadcast_in_dim3A_56 : vector<8x8192xi1>, vector<8x8192xf32>
      %reduce_sum3A = arith.constant dense<0.000000e+00> : vector<8xf32>
      %reduce_sum3A_57 = vector.multi_reduction <add>, %select_n3A, %reduce_sum3A [1] : vector<8x8192xf32> to vector<8xf32>
      %broadcast_in_dim3A_58 = vector.shape_cast %reduce_sum3A_57 : vector<8xf32> to vector<8x1xf32>
      %jit3A_59 = arith.constant 0.000000e+00 : f32
      %broadcast_in_dim3A_60 = vector.broadcast %jit3A_59 : f32 to vector<8x8192xf32>
      %select_n3A_61 = arith.select %eq3A_55, %get3A_8, %broadcast_in_dim3A_60 : vector<8x8192xi1>, vector<8x8192xf32>
      %reduce_sum3A_62 = arith.constant dense<0.000000e+00> : vector<8xf32>
      %reduce_sum3A_63 = vector.multi_reduction <add>, %select_n3A_61, %reduce_sum3A_62 [1] : vector<8x8192xf32> to vector<8xf32>
      %broadcast_in_dim3A_64 = vector.shape_cast %reduce_sum3A_63 : vector<8xf32> to vector<8x1xf32>
      %jit3A_65 = arith.constant 0.000000e+00 : f32
      %broadcast_in_dim3A_66 = vector.broadcast %jit3A_65 : f32 to vector<8x8192xf32>
      %select_n3A_67 = arith.select %eq3A_55, %get3A_13, %broadcast_in_dim3A_66 : vector<8x8192xi1>, vector<8x8192xf32>
      %reduce_sum3A_68 = arith.constant dense<0.000000e+00> : vector<8xf32>
      %reduce_sum3A_69 = vector.multi_reduction <add>, %select_n3A_67, %reduce_sum3A_68 [1] : vector<8x8192xf32> to vector<8xf32>
      %broadcast_in_dim3A_70 = vector.shape_cast %reduce_sum3A_69 : vector<8xf32> to vector<8x1xf32>
      %eq3A_71 = vector.broadcast %scan3A_48 : i32 to vector<8x512xi32>
      %eq3A_72 = arith.cmpi eq, %iota3A_14, %eq3A_71 : vector<8x512xi32>
      %broadcast_in_dim3A_73 = vector.shape_cast %scan3A_50 : vector<8x1xi32> to vector<8x1xi32>
      %broadcast_in_dim3A_74 = vector.broadcast %broadcast_in_dim3A_73 : vector<8x1xi32> to vector<8x512xi32>
      %select_n3A_75 = arith.select %eq3A_72, %broadcast_in_dim3A_74, %scan3A_51 : vector<8x512xi1>, vector<8x512xi32>
      %broadcast_in_dim3A_76 = vector.shape_cast %broadcast_in_dim3A_58 : vector<8x1xf32> to vector<8x1xf32>
      %broadcast_in_dim3A_77 = vector.broadcast %broadcast_in_dim3A_76 : vector<8x1xf32> to vector<8x512xf32>
      %select_n3A_78 = arith.select %eq3A_72, %broadcast_in_dim3A_77, %scan3A_52 : vector<8x512xi1>, vector<8x512xf32>
      %broadcast_in_dim3A_79 = vector.shape_cast %broadcast_in_dim3A_64 : vector<8x1xf32> to vector<8x1xf32>
      %broadcast_in_dim3A_80 = vector.broadcast %broadcast_in_dim3A_79 : vector<8x1xf32> to vector<8x512xf32>
      %select_n3A_81 = arith.select %eq3A_72, %broadcast_in_dim3A_80, %scan3A_53 : vector<8x512xi1>, vector<8x512xf32>
      %broadcast_in_dim3A_82 = vector.shape_cast %broadcast_in_dim3A_70 : vector<8x1xf32> to vector<8x1xf32>
      %broadcast_in_dim3A_83 = vector.broadcast %broadcast_in_dim3A_82 : vector<8x1xf32> to vector<8x512xf32>
      %select_n3A_84 = arith.select %eq3A_72, %broadcast_in_dim3A_83, %scan3A_54 : vector<8x512xi1>, vector<8x512xf32>
      %sub3A = vector.broadcast %broadcast_in_dim3A_58 : vector<8x1xf32> to vector<8x8192xf32>
      %sub3A_85 = arith.subf %get3A_3, %sub3A : vector<8x8192xf32>
      %sub3A_86 = vector.broadcast %broadcast_in_dim3A_64 : vector<8x1xf32> to vector<8x8192xf32>
      %sub3A_87 = arith.subf %get3A_8, %sub3A_86 : vector<8x8192xf32>
      %sub3A_88 = vector.broadcast %broadcast_in_dim3A_70 : vector<8x1xf32> to vector<8x8192xf32>
      %sub3A_89 = arith.subf %get3A_13, %sub3A_88 : vector<8x8192xf32>
      %mul3A = arith.mulf %sub3A_85, %sub3A_85 : vector<8x8192xf32>
      %mul3A_90 = arith.mulf %sub3A_87, %sub3A_87 : vector<8x8192xf32>
      %add3A = arith.addf %mul3A, %mul3A_90 : vector<8x8192xf32>
      %mul3A_91 = arith.mulf %sub3A_89, %sub3A_89 : vector<8x8192xf32>
      %add3A_92 = arith.addf %add3A, %mul3A_91 : vector<8x8192xf32>
      %min3A = arith.minimumf %scan3A_49, %add3A_92 : vector<8x8192xf32>
      %reduce_max3A = arith.constant dense<0xFF800000> : vector<8xf32>
      %reduce_max3A_93 = vector.multi_reduction <maximumf>, %min3A, %reduce_max3A [1] : vector<8x8192xf32> to vector<8xf32>
      %broadcast_in_dim3A_94 = vector.shape_cast %reduce_max3A_93 : vector<8xf32> to vector<8x1xf32>
      %eq3A_95 = vector.broadcast %broadcast_in_dim3A_94 : vector<8x1xf32> to vector<8x8192xf32>
      %eq3A_96 = arith.cmpf oeq, %min3A, %eq3A_95 : vector<8x8192xf32>
      %jit3A_97 = arith.constant 8192 : i32
      %broadcast_in_dim3A_98 = vector.broadcast %jit3A_97 : i32 to vector<8x8192xi32>
      %select_n3A_99 = arith.select %eq3A_96, %iota3A, %broadcast_in_dim3A_98 : vector<8x8192xi1>, vector<8x8192xi32>
      %reduce_min3A = arith.constant dense<2147483647> : vector<8xi32>
      %reduce_min3A_100 = vector.multi_reduction <minsi>, %select_n3A_99, %reduce_min3A [1] : vector<8x8192xi32> to vector<8xi32>
      %broadcast_in_dim3A_101 = vector.shape_cast %reduce_min3A_100 : vector<8xi32> to vector<8x1xi32>
      scf.yield %min3A, %broadcast_in_dim3A_101, %select_n3A_75, %select_n3A_78, %select_n3A_81, %select_n3A_84 : vector<8x8192xf32>, vector<8x1xi32>, vector<8x512xi32>, vector<8x512xf32>, vector<8x512xf32>, vector<8x512xf32>
    }
    %scan3A_27 = arith.constant 512 : i32
    %swap3A = arith.constant 0 : index
    %swap3A_28 = arith.constant 0 : index
    %swap3A_29 = vector.load %arg2[%swap3A, %swap3A_28] : memref<8x512xi32, #tpu.memory_space<vmem>>, vector<8x512xi32>
    tpu.vector_store %arg2[%swap3A, %swap3A_28], %scan3A_26#2 {strides = array<i32>} : memref<8x512xi32, #tpu.memory_space<vmem>>, vector<8x512xi32>,
    %swap3A_30 = arith.constant 0 : index
    %swap3A_31 = arith.constant 0 : index
    %swap3A_32 = arith.constant 0 : index
    %swap3A_33 = vector.load %arg3[%swap3A_30, %swap3A_31, %swap3A_32] : memref<8x3x512xf32, #tpu.memory_space<vmem>>, vector<8x1x512xf32>
    %swap3A_34 = vector.shape_cast %swap3A_33 : vector<8x1x512xf32> to vector<8x512xf32>
    %swap3A_35 = vector.shape_cast %scan3A_26#3 : vector<8x512xf32> to vector<8x1x512xf32>
    tpu.vector_store %arg3[%swap3A_30, %swap3A_31, %swap3A_32], %swap3A_35 {strides = array<i32>} : memref<8x3x512xf32, #tpu.memory_space<vmem>>, vector<8x1x512xf32>,
    %swap3A_36 = arith.constant 0 : index
    %swap3A_37 = arith.constant 1 : index
    %swap3A_38 = arith.constant 0 : index
    %swap3A_39 = vector.load %arg3[%swap3A_36, %swap3A_37, %swap3A_38] : memref<8x3x512xf32, #tpu.memory_space<vmem>>, vector<8x1x512xf32>
    %swap3A_40 = vector.shape_cast %swap3A_39 : vector<8x1x512xf32> to vector<8x512xf32>
    %swap3A_41 = vector.shape_cast %scan3A_26#4 : vector<8x512xf32> to vector<8x1x512xf32>
    tpu.vector_store %arg3[%swap3A_36, %swap3A_37, %swap3A_38], %swap3A_41 {strides = array<i32>} : memref<8x3x512xf32, #tpu.memory_space<vmem>>, vector<8x1x512xf32>,
    %swap3A_42 = arith.constant 0 : index
    %swap3A_43 = arith.constant 2 : index
    %swap3A_44 = arith.constant 0 : index
    %swap3A_45 = vector.load %arg3[%swap3A_42, %swap3A_43, %swap3A_44] : memref<8x3x512xf32, #tpu.memory_space<vmem>>, vector<8x1x512xf32>
    %swap3A_46 = vector.shape_cast %swap3A_45 : vector<8x1x512xf32> to vector<8x512xf32>
    %swap3A_47 = vector.shape_cast %scan3A_26#5 : vector<8x512xf32> to vector<8x1x512xf32>
    tpu.vector_store %arg3[%swap3A_42, %swap3A_43, %swap3A_44], %swap3A_47 {strides = array<i32>} : memref<8x3x512xf32, #tpu.memory_space<vmem>>, vector<8x1x512xf32>,
    return
  }
}

</mosaic_0001>

<sc_bundles>
// kernel: kernel.6.cloned.1.call-start
scs
__scs_entry_jumppad:
0x0: {  	(pc) =	sbr.rel $0x88, $3  }
0x1: {  	(tag) =	ssettag $0x0;
	lr =	simm.s32 $0x1  }
0x2: {  	[smem:$0x3F9F] =	sst lr;
	_ =	strace $0xD0000000  }
0x3: {  	_ = 	snop  }
0x4: {  	_ = 	snop  }
0x5: {  	_ = 	snop  }
0x6: {  	_ = 	snop  }
0x7: {  	_ = 	snop  }
__scs_overlays_trampoline_lowered:
0x8: {  	[smem:$0x3FAE] =	sst s0  }
0x9: {  	[smem:$0x3FAF] =	sst s1  }
0xa: {  	[smem:$0x3FB0] =	sst s2  }
0xb: {  	[smem:$0x3FB1] =	sst s3  }
0xc: {  	[smem:$0x3FB2] =	sst s4  }
0xd: {  	[smem:$0x3FB3] =	sst s5  }
0xe: {  	[smem:$0x3FB4] =	sst s6  }
0xf: {  	[smem:$0x3FB5] =	sst s7  }
0x10: {  	[smem:$0x3FB6] =	sst s8  }
0x11: {  	[smem:$0x3FB7] =	sst s9;
	s0 =	simm.s32 @!p0 $0x0  }
0x12: {  	s1 =	sld [smem:$0x3F9D];
	s0 =	simm.s32 @p0 $0x1  }
0x13: {  	[smem:$0x3FB8] =	sst s0;
	s0 =	simm.s32 @!p1 $0x0  }
0x14: {  	s2 =	sld [smem:$0x3F9C];
	s0 =	simm.s32 @p1 $0x1  }
0x15: {  	[smem:$0x3FB9] =	sst s0;
	s0 =	simm.s32 @!p2 $0x0  }
0x16: {  	s3 =	sld [smem:$0x3FDB];
	s0 =	simm.s32 @p2 $0x1  }
0x17: {  	s4 =	simm.s32 $0x1BF5;
	[smem:$0x3FBB] =	sst s0  }
0x18: {  	s0 =	sld [smem:$0x3F9E];
	_ =	swait.ge [sflag:s4], $0x0  }
0x19: {  	s7 =	sld [smem:$0x3F9F]  }
0x1a: {  	s8 =	sadd.s32 $0xFFFFE003, lr  }
0x1b: {  	s9 =	sadd.s32 $0xFFFFFEF7, lr;
	s5 =	simm.s32 $0xFFFFFFFF;
	p2 =	slt.u32 s8, $0xFFFFF086  }
0x1c: {  	p1 =	slt.u32 s9, $0xF7A;
	s5 =	simm.s32 @!p2 $0x0  }
0x1d: {  	s5 =	simm.s32 @p1 $0x1;
	p0 =	seq.s32 s7, s2  }
0x1e: {  	s7 =	smul.u32 @!p0 $0xF7A, s2;
	p2 =	seq.s32 @!p0 s5, $0x0  }
0x1f: {  	s9 =	smul.u32 $0xF7A, s1;
	s8 =	simm.s32 @!p0 $0x1BF5;
	p2 =	por !p2, p0  }
0x20: {  	[sflag:s8] =	ssyncset.s32 @!p0 $0xFFFFF086;
	s6 =	sadd.s32 @!p0 s3, s7;
	s7 =	simm.s32 @!p0 $0x108  }
0x21: {  	s3 =	sadd.s32 s3, s9;
	s6 =	sadd.s32 @!p0 $0x88, s6;
	s7 =	simm.s32 @p2 $0x1082  }
0x22: {  	[simem:s7], [sflag:s8] =	dma.local @!p0 [hbm:s6], $0xF7A  }
0x23: {  	s9 =	sor.u32 $0xD0000000, s2;
	s6 =	simm.s32 $0x108;
	_ =	swait.ge @!p0 [sflag:s8], $0x0  }
0x24: {  	s3 =	sadd.s32 $0x88, s3;
	s6 =	simm.s32 @!p1 $0x1082;
	[sflag:s4] =	ssyncset.s32 $0xFFFFF086  }
0x25: {  	[simem:s6], [sflag:s4] =	dma.local [hbm:s3], $0xF7A  }
0x26: {  	[smem:$0x3F9F] =	sst s1;
	(tag) =	ssettag s2;
	_ =	strace s9  }
0x27: {  	s1 =	sld [smem:$0x3FAF]  }
0x28: {  	s2 =	sld [smem:$0x3FB0]  }
0x29: {  	s4 =	sld [smem:$0x3FB2]  }
0x2a: {  	p0 =	seq.s32 s5, $0x0;
	s5 =	sld [smem:$0x3FB3]  }
0x2b: {  	s6 =	sld [smem:$0x3FB4]  }
0x2c: {  	s7 =	sld [smem:$0x3FB5]  }
0x2d: {  	s3 =	simm.s32 $0x108;
	s8 =	sld [smem:$0x3FB6]  }
0x2e: {  	s3 =	simm.s32 @!p0 $0x1082;
	s9 =	sld [smem:$0x3FB7]  }
0x2f: {  	lr =	sadd.s32 s0, s3;
	s0 =	sld [smem:$0x3FAE]  }
0x30: {  	s3 =	sld [smem:$0x3FB1]  }
0x31: {  	[smem:$0x3FBA] =	sst s10  }
0x32: {  	s10 =	sld [smem:$0x3FB8];
	_ =	sdelay $0x3  }
0x33: {  	p0 =	seq.s32 s10, $0x1;
	s10 =	sld [smem:$0x3FBA];
	_ =	sdelay $0x3  }
0x34: {  	[smem:$0x3FBA] =	sst s10  }
0x35: {  	s10 =	sld [smem:$0x3FB9];
	_ =	sdelay $0x3  }
0x36: {  	p1 =	seq.s32 s10, $0x1;
	s10 =	sld [smem:$0x3FBA];
	_ =	sdelay $0x3  }
0x37: {  	[smem:$0x3FBA] =	sst s10  }
0x38: {  	s10 =	sld [smem:$0x3FBB]  }
0x39: {  	_ = 	snop;
	(pc) =	sbr.ind lr, $3  }
0x3a: {  	_ = 	snop  }
0x3b: {  	_ = 	snop  }
0x3c: {  	p2 =	seq.s32 s10, $0x1;
	s10 =	sld [smem:$0x3FBA]  }
0x3d: {  	_ =	shalt  }
0x3e: {  	_ =	shalt  }
0x3f: {  	_ =	shalt  }
0x40: {  	_ =	shalt  }
0x41: {  	_ =	shalt  }
0x42: {  	_ =	shalt  }
0x43: {  	_ =	shalt  }
0x44: {  	_ =	shalt  }
0x45: {  	_ =	shalt  }
0x46: {  	_ =	shalt  }
0x47: {  	_ =	shalt  }
0x48: {  	_ =	shalt  }
0x49: {  	_ =	shalt  }
0x4a: {  	_ =	shalt  }
0x4b: {  	_ =	shalt  }
0x4c: {  	_ =	shalt  }
0x4d: {  	_ =	shalt  }
0x4e: {  	_ =	shalt  }
0x4f: {  	_ =	shalt  }
0x50: {  	_ =	shalt  }
0x51: {  	_ =	shalt  }
0x52: {  	_ =	shalt  }
0x53: {  	_ =	shalt  }
0x54: {  	_ =	shalt  }
0x55: {  	_ =	shalt  }
0x56: {  	_ =	shalt  }
0x57: {  	_ =	shalt  }
0x58: {  	_ =	shalt  }
0x59: {  	_ =	shalt  }
0x5a: {  	_ =	shalt  }
0x5b: {  	_ =	shalt  }
0x5c: {  	_ =	shalt  }
0x5d: {  	_ =	shalt  }
0x5e: {  	_ =	shalt  }
0x5f: {  	_ =	shalt  }
0x60: {  	_ =	shalt  }
0x61: {  	_ =	shalt  }
0x62: {  	_ =	shalt  }
0x63: {  	_ =	shalt  }
0x64: {  	_ =	shalt  }
0x65: {  	_ =	shalt  }
0x66: {  	_ =	shalt  }
0x67: {  	_ =	shalt  }
0x68: {  	_ =	shalt  }
0x69: {  	_ =	shalt  }
0x6a: {  	_ =	shalt  }
0x6b: {  	_ =	shalt  }
0x6c: {  	_ =	shalt  }
0x6d: {  	_ =	shalt  }
0x6e: {  	_ =	shalt  }
0x6f: {  	_ =	shalt  }
0x70: {  	_ =	shalt  }
0x71: {  	_ =	shalt  }
0x72: {  	_ =	shalt  }
0x73: {  	_ =	shalt  }
0x74: {  	_ =	shalt  }
0x75: {  	_ =	shalt  }
0x76: {  	_ =	shalt  }
0x77: {  	_ =	shalt  }
0x78: {  	_ =	shalt  }
0x79: {  	_ =	shalt  }
0x7a: {  	_ =	shalt  }
0x7b: {  	_ =	shalt  }
0x7c: {  	_ =	shalt  }
0x7d: {  	_ =	shalt  }
0x7e: {  	_ =	shalt  }
0x7f: {  	_ =	shalt  }
0x80: {  	_ =	shalt  }
0x81: {  	_ =	shalt  }
0x82: {  	_ =	shalt  }
0x83: {  	_ =	shalt  }
0x84: {  	_ =	shalt  }
0x85: {  	_ =	shalt  }
0x86: {  	_ =	shalt  }
0x87: {  	_ =	shalt  }
.Lfunc_end0:
.L_simem_size_0:
called_computation.1_lowered:
.L_overlay_start_0:
0x88: {  	s2 =	sld [smem:$0x3FD9]  }
0x89: {  	s3 =	sld [smem:$0x3FFE];
	_ =	sdelay $0x1  }
0x8a: {  	s1 =	srdreg.scid  }
0x8b: {  	s0 =	sand.u32 $0x1, s1  }
0x8c: {  	s16 =	sshll.u32 s0, $0xA;
	s2 =	sadd.s32 s3, s2  }
0x8d: {  	s2 =	sadd.s32 s2, s16  }
0x8e: {  	[smem:$0x3FC6] =	sst s2  }
0x8f: {  	_ = 	snop  }
0x90: {  	(tm) =	ssettm $0x1  }
0x91: {  	s17 =	sld [smem:$0x3FFB];
	_ =	sdelay $0x3  }
0x92: {  	_ =	strace s17  }
0x93: {  	s2 =	sld [smem:$0x3FFC];
	_ =	sdelay $0x3  }
0x94: {  	_ =	strace s2  }
0x95: {  	s2 =	sld [smem:$0x3FFD];
	_ =	sdelay $0x3  }
0x96: {  	_ =	strace s2  }
0x97: {  	_ =	strace $0x8FFFFFFF  }
0x98: {  	s18 =	sld [smem:$0x3FDB];
	_ =	sdelay $0x1  }
0x99: {  	s19 =	simm.s32 $_scs_section_size  }
0x9a: {  	s4 =	simm.s32 $_size__tile_overlayer_lowered;
	s5 =	simm.s32 $_tile_overlayer_lowered  }
0x9b: {  	s22 =	simm.s32 $0x1BFF;
	s21 =	sshll.u32 s5, $0x1;
	s2 =	sadd.s32 s19, s18  }
0x9c: {  	s6 =	simm.s32 $0x0;
	s20 =	sshll.u32 s4, $0x1;
	s4 =	sadd.s32 s21, s2  }
0x9d: {  	[timem:s6], [sflag:s22] =	dma.local [hbm:s4], s20  }
0x9e: {  	_ =	swait.ge [sflag:s22], s20  }
0x9f: {  	s3 =	ssub.s32 $0x0, s20;
	[sflag:s22] =	ssyncset.done $0x0  }
0xa0: {  	[sflag:s22] =	ssyncadd.s32 s3;
	_ =	sdelay $0x1  }
0xa1: {  	s23 =	simm.s32 $0x1B8B  }
0xa2: {  	_ =	swait.ge [sflag:s23], $0x1  }
0xa3: {  	[sflag:s23] =	ssyncset.done $0x0  }
0xa4: {  	s25 =	simm.s32 $0x1B8E;
	s24 =	sld [smem:$0x3FFE];
	[sflag:s23] =	ssyncadd.s32 $0xFFFFFFFF  }
0xa5: {  	s26 =	simm.s32 $execute0_lowered;
	[smem:$0x3FD2] =	sst s25  }
0xa6: {  	s4 =	sshll.u32 s26, $0x1;
	_ =	strace $0x80000046;
	[dreg:$0x1] =	wrdreg $0xFFFFFFFF  }
0xa7: {  	s28 =	simm.s32 $_size_execute0_lowered;
	s2 =	sadd.s32 s2, s4;
	[dreg:$0x0] =	wrdreg $0x0  }
0xa8: {  	s4 =	sshll.u32 s28, $0x1;
	[dreg:$0x2] =	wrdreg s2  }
0xa9: {  	[dreg:$0x3] =	wrdreg s4  }
0xaa: {  	[dreg:$0x4] =	wrdreg $0xC0  }
0xab: {  	_ =	task [dreg:s6], $0x5FFFF  }
0xac: {  	[dreg:$0x1] =	wrdreg $0xFFFFFFFF  }
0xad: {  	[dreg:$0x0] =	wrdreg $0x60  }
0xae: {  	[dreg:$0x2] =	wrdreg s24  }
0xaf: {  	[dreg:$0x3] =	wrdreg $0x9  }
0xb0: {  	_ =	task.clear_ibuf [dreg:s6], $0x4FFFF;
	_ =	strace $0x90000046  }
0xb1: {  	s29 =	simm.s32 $0x9;
	_ =	strace $0x80000048  }
0xb2: {  	_ =	swait.ge [sflag:s29], $0x1  }
0xb3: {  	[sflag:s29] =	ssyncadd.s32 $0xFFFFFFFF  }
0xb4: {  	_ =	strace $0x90000048  }
0xb5: {  	_ =	sfence  }
0xb6: {  	s30 =	sld [smem:$0x0];
	_ =	sdelay $0x2  }
0xb7: {  	s31 =	sshll.u32 s1, $0xD;
	s1 =	sshrl.u32 s1, $0x2  }
0xb8: {  	s3 =	sand.u32 $0x4000, s31;
	s1 =	sadd.s32 s1, s30  }
0xb9: {  	s0 =	sor.u32 s3, s0;
	s1 =	sshll.u32 s1, $0x11  }
0xba: {  	s0 =	sor.u32 s1, s0  }
0xbb: {  	s0 =	sadd.s32 $0x8F2B, s0  }
0xbc: {  	[sflag:s0] =	ssyncadd.remote.s32 $0x1  }
0xbd: {  	_ =	sfence.sel $0xFFFF  }
0xbe: {  	[dreg:$0x0] =	wrdreg $0xFFFFFFFF;
	(pc) =	sbr.abs _section_cstart, $3  }
0xbf: {  	[dreg:$0x1] =	wrdreg $0xFFFFFFFF  }
0xc0: {  	_ =	task.clear_ibuf [dreg:s6], $0x2FFFF;
	_ =	strace $0x9FFFFFFF  }
0xc1: {  	(tm) =	ssettm $0x7FFFFFFF  }
tec
execute0_lowered:
.L_overlay_start_1:
0x0: {  	(tag) =	ssettag $0x1  }
0x1: {  	s6 =	rddreg [dreg:$0x0];
	s2 =	srdreg.scid  }
0x2: {  	s0 =	rddreg [dreg:$0x1];
	s1 =	stileid.u32  }
0x3: {  	s11 =	simm.s32 $0x6100;
	s12 =	simm.s32 $0x80;
	s13 =	simm.s32 $0x400  }
0x4: {  	s14 =	simm.s32 $0x6200;
	s15 =	simm.s32 $0x0;
	s5 =	sand.u32 $0x1, s2  }
0x5: {  	s2 =	simm.s32 $0x0;
	s3 =	sshll.u32 s1, $0x8;
	s4 =	sshll.u32 s5, $0x7  }
0x6: {  	[smem:$0x7FF] =	sst s2;
	s8 =	ssub.s32 $0x2, s5;
	s5 =	sadd.s32 $0x402200, s6  }
.Ltmp0:
0x7: {  	s3 =	sor.u32 s4, s3;
	_ =	strace $0x80000047;
	(pc) =	sbr.rel .LBB2_1-.Ltmp0, $4  }
0x8: {  	s4 =	sadd.s32 $0x2000, s6;
	s10 =	sshrl.u32 s8, $0x1;
	s7 =	sshrl.u32 s3, $0x3  }
0x9: {  	s9 =	sshll.u32 s3, $0x4;
	s8 =	ssub.s32 s8, s10;
	s10 =	simm.s32 $0x1  }
0xa: {  	s7 =	sadd.s32 s7, s6;
	s9 =	sadd.s32 s9, s6;
	s8 =	smax.u32 s8, $0x1  }
0xb: {  	v0 =	vlaneseq.u32;
	v1 =	vimm.s32 $0x0;
	s6 =	sadd.s32 $0x402000, s7;
	s7 =	sadd.s32 $0x402400, s9;
	s9 =	simm.s32 $0xA200  }
.LBB2_12:
0xc: {  	s15 =	sadd.s32 $0x1, s15  }
0xd: {  	p0 =	sne.s32 s15, s8  }
.Ltmp1:
0xe: {  	_ = 	snop;
	(pc) =	sbr.rel @!p0 .LBB2_13-.Ltmp1, $4  }
0xf: {  	[hbm4b:s7+s2] =	stream.linear.scatter [tilespmem:s14], [sflag:$0x1], $0x4000, $0x38;
	[tilespmem:$0xA280] =	vst v63  }
0x10: {  	_ =	swait.ge [sflag:s10], $0x4000  }
0x11: {  	[sflag:s10] =	ssyncset.done $0x0  }
0x12: {  	[sflag:s10] =	ssyncadd.s32 $0xFFFFC000  }
.LBB2_1:
0x13: {  	[tilespmem:s9], [sflag:$0x1] =	stream.linear.gather [hbm4b:s5+s2], $0x1, $0x38;
	[tilespmem:$0xA280] =	vst v63  }
0x14: {  	_ =	swait.ge [sflag:s10], $0x1  }
0x15: {  	[sflag:s10] =	ssyncset.done $0x0  }
.Ltmp2:
0x16: {  	[sflag:s10] =	ssyncadd.s32 $0xFFFFFFFF;
	(pc) =	sbr.rel .LBB2_2-.Ltmp2, $4  }
0x17: {  	v2 =	vld.msk [tilespmem:$0xA200 ss:$0x0], $0xffff;
	[tilespmem:s11], [sflag:$0x1] =	stream.linear.gather [hbm4b:s6+s2], $0x80, $0x38  }
0x18: {  	_ =	swait.ge [sflag:s10], $0x80  }
0x19: {  	[sflag:s10] =	ssyncset.done $0x0  }
0x1a: {  	s16 =	simm.s32 $0x0;
	[sflag:s10] =	ssyncadd.s32 $0xFFFFFF80  }
.LBB2_11:
0x1b: {  	s17 =	sshll.u32 s16, $0x7;
	s16 =	sadd.s32 $0x1, s16  }
0x1c: {  	p0 =	sne.s32 s16, $0x80  }
.Ltmp3:
0x1d: {  	_ = 	snop;
	(pc) =	sbr.rel @!p0 .LBB2_12-.Ltmp3, $4  }
0x1e: {  	_ = 	snop  }
0x1f: {  	s17 =	sand.u32 $0x3FFFFF80, s17  }
0x20: {  	[tilespmem:s17+$0x6200] =	vst v4  }
0x21: {  	[tilespmem:s17+$0x6210] =	vst v3  }
.LBB2_2:
0x22: {  	s17 =	sadd.s32 s3, s16;
	s18 =	sshll.u32 s16, $0x4  }
0x23: {  	s17 =	sshll.u32 s17, $0xA;
	s18 =	sand.u32 $0x70, s18  }
0x24: {  	s17 =	sand.u32 $0x3FE000, s17;
	s18 =	sadd.s32 s4, s18  }
0x25: {  	s17 =	sadd.s32 s17, s18;
	s18 =	simm.s32 $0x0  }
0x26: {  	[tilespmem:s18], [sflag:$0x1] =	stream.strided.gather [hbm4b:s17+s12], $0x2000, s13, s12, $0x38;
	[tilespmem:$0xA280] =	vst v63  }
0x27: {  	_ =	swait.ge [sflag:s10], $0x2000  }
0x28: {  	[sflag:s10] =	ssyncset.done $0x0  }
0x29: {  	[sflag:s10] =	ssyncadd.s32 $0xFFFFE000  }
0x2a: {  	v4 =	vld.msk [tilespmem:s16+$0x6100 ss:$0x0], $0xffff  }
0x2b: {  	v3 =	vld [tilespmem:s18+$0x0];
	_ =	sdelay $0x4  }
0x2c: {  	vm0 =	vle.f32 v3, v4  }
0x2d: {  	v5 =	vsel vm0, $0x1, v1  }
0x2e: {  	(xrf0) =	vadd.scan.msk.s32 $0xffff, v5;
	_ =	sdelay $0x5  }
0x2f: {  	v5, _, _ =	vpop (xrf0)  }
0x30: {  	(v2sf) =	vpush v5, $0xF  }
0x31: {  	[tilespmem:s18+$0x2000] =	vst.msk vm0, v3;
	v3 =	vor.u32 s18, v0  }
0x32: {  	s17 =	simm.s32 $0x10;
	[tilespmem:s18+$0x4080] =	vst.msk vm0, v3  }
0x33: {  	s19 =	simm.s32 $0x20;
	s20 =	simm.s32 $0x10;
	v3 =	vld [tilespmem:s17+$0x0]  }
.LBB2_3:
0x34: {  	p0 =	sne.s32 s19, $0x1FF0;
	_ =	sdelay $0x3  }
0x35: {  	vm0 =	vle.f32 v3, v4  }
0x36: {  	v5 =	vsel vm0, $0x1, v1  }
0x37: {  	(xrf0) =	vadd.scan.msk.s32 $0xffff, v5;
	_ =	sdelay $0x4  }
0x38: {  	s21 =	spop (v2sf)  }
.Ltmp4:
0x39: {  	v5, _, _ =	vpop (xrf0);
	s18 =	sadd.s32 s18, s21;
	(pc) =	sbr.rel @p0 .LBB2_3-.Ltmp4, $4  }
0x3a: {  	[tilespmem:s18+$0x2000] =	vst.msk vm0, v3;
	v3 =	vor.u32 s17, v0;
	(v2sf) =	vpush v5, $0xF;
	s17 =	smov.u32 s19  }
0x3b: {  	[tilespmem:s18+$0x4080] =	vst.msk vm0, v3  }
0x3c: {  	s20 =	sadd.s32 $0x10, s20  }
0x3d: {  	s19 =	sadd.s32 $0x10, s19;
	v3 =	vld [tilespmem:s20+$0x0]  }
0x3e: {  	_ =	sdelay $0x3  }
0x3f: {  	vm0 =	vle.f32 v3, v4  }
0x40: {  	v4 =	vsel vm0, $0x1, v1  }
0x41: {  	(xrf0) =	vadd.scan.msk.s32 $0xffff, v4;
	_ =	sdelay $0x5  }
0x42: {  	v4, _, _ =	vpop (xrf0)  }
0x43: {  	(v2sf) =	vpush v4, $0xF;
	_ =	sdelay $0xd  }
0x44: {  	s19 =	spop (v2sf)  }
0x45: {  	s18 =	sadd.s32 s18, s19;
	s30 =	spop (v2sf)  }
0x46: {  	s19 =	sadd.s32 s18, s30  }
0x47: {  	s20 =	sadd.s32 $0xF, s19  }
0x48: {  	s21 =	sand.u32 $0xF, s20  }
0x49: {  	s31 =	sshra.s32 s20, $0x1F;
	p1 =	slt.s32 s20, $0x1;
	p0 =	sne.s32 s21, $0x0  }
.Ltmp5:
0x4a: {  	s21 =	sshrl.u32 s31, $0x1C;
	p0 =	por !p1, !p0;
	(pc) =	sbr.rel .LBB2_5-.Ltmp5, $4  }
0x4b: {  	s20 =	sadd.s32 s21, s20;
	s21 =	simm.s32 $0x1;
	p0 =	por !p0, !p0  }
0x4c: {  	s20 =	sshra.s32 s20, $0x4;
	s21 =	simm.s32 @!p0 $0x0  }
0x4d: {  	v4 =	vor.u32 s17, v0;
	[tilespmem:s18+$0x2000] =	vst.msk vm0, v3;
	s17 =	ssub.s32 s20, s21  }
0x4e: {  	v3 =	vimm.s32 $0x0;
	[tilespmem:s18+$0x4080] =	vst.msk vm0, v4;
	v4 =	vimm.s32 $0x0;
	s18 =	simm.s32 $0x0;
	v5 =	vmov s19;
	s19 =	simm.s32 $0x0;
	p0 =	slt.s32 s17, $0x1  }
.LBB2_6:
0x4f: {  	_ = 	snop  }
0x50: {  	v6 =	vimm.s32 $0x80000000;
	v7 =	vimm.s32 $0x0;
	v10 =	vmov v2  }
.LBB2_10:
0x51: {  	(xrf0) =	vmin.scan.msk.f32 $0xffff, v10;
	_ =	sdelay $0x5  }
0x52: {  	v8, _, _ =	vpop (xrf0)  }
0x53: {  	v8 =	vbroadcast v8, $0xF;
	_ =	sdelay $0x1  }
0x54: {  	v62 =	vxor.u32 $0x80000000, v7;
	vm0 =	veq.f32 v10, v8  }
0x55: {  	v8 =	vnsel vm0, $0xC0000000, v62  }
0x56: {  	(xrf0) =	vmin.scan.msk.u32 $0xffff, v8;
	_ =	sdelay $0x5  }
0x57: {  	v8, _, _ =	vpop (xrf0)  }
0x58: {  	(v2sf) =	vpush v8, $0xF;
	_ =	sdelay $0xe  }
0x59: {  	s20 =	spop (v2sf)  }
0x5a: {  	s20 =	sxor.u32 $0x80000000, s20  }
0x5b: {  	vm1 =	veq.s32 v7, s20  }
0x5c: {  	vm0 =	vmand vm0, vm1  }
0x5d: {  	v6 =	vnsel vm0, $0xC0000000, v6  }
0x5e: {  	(xrf0) =	vmin.scan.msk.u32 $0xffff, v6;
	_ =	sdelay $0x5  }
0x5f: {  	v6, _, _ =	vpop (xrf0)  }
0x60: {  	(v2sf) =	vpush v6, $0xF;
	_ =	sdelay $0xe  }
0x61: {  	s21 =	spop (v2sf)  }
0x62: {  	s22 =	sxor.u32 $0x80000000, s21  }
0x63: {  	p2 =	sgt.s32 s21, $0xFFFFFFFF;
	s21 =	sand.u32 $0xF, s21;
	p1 =	slt.s32 s22, $0x1  }
0x64: {  	s23 =	sshra.s32 s22, $0x1F;
	p6 =	sne.s32 s21, $0x0;
	p1 =	por p2, p1  }
0x65: {  	s30 =	sshrl.u32 s23, $0x1C;
	p1 =	por !p6, !p1  }
0x66: {  	s23 =	simm.s32 $0x1;
	s21 =	sadd.s32 s30, s22;
	p1 =	por !p1, !p1  }
0x67: {  	s21 =	sshrl.u32 s21, $0x4;
	s23 =	simm.s32 @!p1 $0x0  }
0x68: {  	s21 =	ssub.s32 s21, s23  }
0x69: {  	s21 =	sshll.u32 s21, $0x4  }
0x6a: {  	s31 =	sadd.s32 $0xFFFFFFF0, s19;
	v7 =	vmov s19;
	s19 =	sadd.s32 $0x1, s19;
	v6 =	vld [tilespmem:s21+$0x2000]  }
0x6b: {  	p1 =	sne.s32 s19, $0x20  }
.Ltmp6:
0x6c: {  	_ = 	snop;
	(pc) =	sbr.rel @!p1 .LBB2_11-.Ltmp6, $4  }
0x6d: {  	v63 =	vor.u32 s21, v0  }
0x6e: {  	v9 =	vmov s31;
	vm13 =	veq.s32 v63, s22  }
0x6f: {  	vm15 =	veq.s32 v9, v0;
	vm14 =	veq.s32 v7, v0;
	v6 =	vsel vm13, v2, v6  }
0x70: {  	v3 =	vsel vm15, s20, v3;
	v4 =	vsel vm14, s20, v4;
	[tilespmem:s21+$0x2000] =	vst v6  }
.LBB2_5:
.Ltmp7:
0x71: {  	(pc) =	sbr.rel @p0 .LBB2_6-.Ltmp7, $1  }
0x72: {  	_ =	sdelay $0x3  }
0x73: {  	s20 =	simm.s32 $0x2000  }
0x74: {  	p1 =	sne.s32 s17, $0x1;
	v7 =	vld [tilespmem:s20+$0x0]  }
.Ltmp8:
0x75: {  	s20 =	simm.s32 $0x4080;
	(pc) =	sbr.rel @!p1 .LBB2_9-.Ltmp8, $4  }
0x76: {  	v8 =	vld [tilespmem:s20+$0x0]  }
0x77: {  	v6 =	vor.u32 s18, v0  }
0x78: {  	vm0 =	vlt.s32 v6, v5  }
0x79: {  	s21 =	sadd.s32 $0xFFFFFFFF, s17;
	s22 =	simm.s32 $0x2010;
	v9 =	vimm.s32 $0x0;
	v10 =	vimm.s32 $0x0;
	s23 =	simm.s32 $0x0;
	v11 =	vsel vm0, v7, v2;
	v7 =	vmovc v2  }
.LBB2_8:
0x7a: {  	v12 =	vld [tilespmem:s22+$0x0];
	p1 =	sne.s32 s21, $0x1;
	s21 =	sadd.s32 $0xFFFFFFFF, s21;
	vm0 =	vlt.f32 v11, v7  }
.Ltmp9:
0x7b: {  	s20 =	sadd.s32 $0x10, s20;
	v7 =	vsel vm0, v11, v7;
	v9 =	vsel vm0, v8, v9;
	v10 =	vsel vm0, v6, v10;
	(pc) =	sbr.rel @p1 .LBB2_8-.Ltmp9, $4  }
0x7c: {  	s23 =	sadd.s32 $0x10, s23;
	v8 =	vld [tilespmem:s20+$0x0]  }
0x7d: {  	v6 =	vor.u32 s23, v0  }
0x7e: {  	vm0 =	vlt.s32 v6, v5  }
0x7f: {  	s22 =	sadd.s32 $0x10, s22;
	v11 =	vsel vm0, v12, v2  }
.LBB2_9:
.Ltmp10:
0x80: {  	(pc) =	sbr.rel .LBB2_10-.Ltmp10, $4  }
0x81: {  	_ = 	snop  }
0x82: {  	vm0 =	vlt.f32 v11, v7  }
0x83: {  	v6 =	vsel vm0, v6, v10  }
0x84: {  	v10 =	vsel vm0, v11, v7;
	v7 =	vsel vm0, v8, v9;
	v6 =	vxor.u32 $0x80000000, v6  }
.LBB2_13:
0x85: {  	_ =	sfence.sel $0x180000  }
0x86: {  	[bflag:$0x0] =	sbarrier.arrive $0xFFFF  }
0x87: {  	p0 =	sne.s32 s1, $0x0;
	_ =	strace $0x90000047  }
0x88: {  	s0 =	sadd.s32 @!p0 $0x100000, s0;
	[bflag:$0x2] =	sbarrier.arrive $0xFFFF  }
0x89: {  	[sflag:s0] =	ssyncadd.tile.s32 @!p0 $0x1;
	_ =	shalt  }
.Lfunc_end2:
_tile_overlayer_lowered:
.L_overlay_start_2:
0x8a: {  	(tag) =	ssettag $0x2  }
0x8b: {  	s0 =	rddreg [dreg:$0x0];
	s2 =	stileid.u32  }
0x8c: {  	s1 =	rddreg [dreg:$0x1];
	p0 =	sne.s32 s2, $0x0  }
0x8d: {  	s3 =	rddreg [dreg:$0x2];
	[bflag:$0x3] =	sbarrier.arrive $0xFFFF;
	s2 =	simm.s32 @!p0 $0x1C01  }
0x8e: {  	[timem:s3], [sflag:s2] =	dma.local @!p0 [hbm:s0], s1  }
0x8f: {  	s0 =	simm.s32 @!p0 $0x1  }
0x90: {  	_ =	swait.ge @!p0 [sflag:s0], s1  }
0x91: {  	s1 =	ssub.s32 @!p0 $0x0, s1;
	[sflag:s0] =	ssyncset.done @!p0 $0x0  }
0x92: {  	[sflag:s0] =	ssyncadd.s32 @!p0 s1  }
0x93: {  	[bflag:$0x3] =	sbarrier.arrive $0xFFFF  }
0x94: {  	_ =	shalt  }

// kernel: kernel.9.cloned.1.call-start
scs
__scs_entry_jumppad:
0x0: {  	(pc) =	sbr.rel $0x88, $3  }
0x1: {  	(tag) =	ssettag $0x0;
	lr =	simm.s32 $0x1  }
0x2: {  	[smem:$0x3F9F] =	sst lr;
	_ =	strace $0xD0000000  }
0x3: {  	_ = 	snop  }
0x4: {  	_ = 	snop  }
0x5: {  	_ = 	snop  }
0x6: {  	_ = 	snop  }
0x7: {  	_ = 	snop  }
__scs_overlays_trampoline_lowered:
0x8: {  	[smem:$0x3FAE] =	sst s0  }
0x9: {  	[smem:$0x3FAF] =	sst s1  }
0xa: {  	[smem:$0x3FB0] =	sst s2  }
0xb: {  	[smem:$0x3FB1] =	sst s3  }
0xc: {  	[smem:$0x3FB2] =	sst s4  }
0xd: {  	[smem:$0x3FB3] =	sst s5  }
0xe: {  	[smem:$0x3FB4] =	sst s6  }
0xf: {  	[smem:$0x3FB5] =	sst s7  }
0x10: {  	[smem:$0x3FB6] =	sst s8  }
0x11: {  	[smem:$0x3FB7] =	sst s9;
	s0 =	simm.s32 @!p0 $0x0  }
0x12: {  	s1 =	sld [smem:$0x3F9D];
	s0 =	simm.s32 @p0 $0x1  }
0x13: {  	[smem:$0x3FB8] =	sst s0;
	s0 =	simm.s32 @!p1 $0x0  }
0x14: {  	s2 =	sld [smem:$0x3F9C];
	s0 =	simm.s32 @p1 $0x1  }
0x15: {  	[smem:$0x3FB9] =	sst s0;
	s0 =	simm.s32 @!p2 $0x0  }
0x16: {  	s3 =	sld [smem:$0x3FDB];
	s0 =	simm.s32 @p2 $0x1  }
0x17: {  	s4 =	simm.s32 $0x1BF5;
	[smem:$0x3FBB] =	sst s0  }
0x18: {  	s0 =	sld [smem:$0x3F9E];
	_ =	swait.ge [sflag:s4], $0x0  }
0x19: {  	s7 =	sld [smem:$0x3F9F]  }
0x1a: {  	s8 =	sadd.s32 $0xFFFFE003, lr  }
0x1b: {  	s9 =	sadd.s32 $0xFFFFFEF7, lr;
	s5 =	simm.s32 $0xFFFFFFFF;
	p2 =	slt.u32 s8, $0xFFFFF086  }
0x1c: {  	p1 =	slt.u32 s9, $0xF7A;
	s5 =	simm.s32 @!p2 $0x0  }
0x1d: {  	s5 =	simm.s32 @p1 $0x1;
	p0 =	seq.s32 s7, s2  }
0x1e: {  	s7 =	smul.u32 @!p0 $0xF7A, s2;
	p2 =	seq.s32 @!p0 s5, $0x0  }
0x1f: {  	s9 =	smul.u32 $0xF7A, s1;
	s8 =	simm.s32 @!p0 $0x1BF5;
	p2 =	por !p2, p0  }
0x20: {  	[sflag:s8] =	ssyncset.s32 @!p0 $0xFFFFF086;
	s6 =	sadd.s32 @!p0 s3, s7;
	s7 =	simm.s32 @!p0 $0x108  }
0x21: {  	s3 =	sadd.s32 s3, s9;
	s6 =	sadd.s32 @!p0 $0x88, s6;
	s7 =	simm.s32 @p2 $0x1082  }
0x22: {  	[simem:s7], [sflag:s8] =	dma.local @!p0 [hbm:s6], $0xF7A  }
0x23: {  	s9 =	sor.u32 $0xD0000000, s2;
	s6 =	simm.s32 $0x108;
	_ =	swait.ge @!p0 [sflag:s8], $0x0  }
0x24: {  	s3 =	sadd.s32 $0x88, s3;
	s6 =	simm.s32 @!p1 $0x1082;
	[sflag:s4] =	ssyncset.s32 $0xFFFFF086  }
0x25: {  	[simem:s6], [sflag:s4] =	dma.local [hbm:s3], $0xF7A  }
0x26: {  	[smem:$0x3F9F] =	sst s1;
	(tag) =	ssettag s2;
	_ =	strace s9  }
0x27: {  	s1 =	sld [smem:$0x3FAF]  }
0x28: {  	s2 =	sld [smem:$0x3FB0]  }
0x29: {  	s4 =	sld [smem:$0x3FB2]  }
0x2a: {  	p0 =	seq.s32 s5, $0x0;
	s5 =	sld [smem:$0x3FB3]  }
0x2b: {  	s6 =	sld [smem:$0x3FB4]  }
0x2c: {  	s7 =	sld [smem:$0x3FB5]  }
0x2d: {  	s3 =	simm.s32 $0x108;
	s8 =	sld [smem:$0x3FB6]  }
0x2e: {  	s3 =	simm.s32 @!p0 $0x1082;
	s9 =	sld [smem:$0x3FB7]  }
0x2f: {  	lr =	sadd.s32 s0, s3;
	s0 =	sld [smem:$0x3FAE]  }
0x30: {  	s3 =	sld [smem:$0x3FB1]  }
0x31: {  	[smem:$0x3FBA] =	sst s10  }
0x32: {  	s10 =	sld [smem:$0x3FB8];
	_ =	sdelay $0x3  }
0x33: {  	p0 =	seq.s32 s10, $0x1;
	s10 =	sld [smem:$0x3FBA];
	_ =	sdelay $0x3  }
0x34: {  	[smem:$0x3FBA] =	sst s10  }
0x35: {  	s10 =	sld [smem:$0x3FB9];
	_ =	sdelay $0x3  }
0x36: {  	p1 =	seq.s32 s10, $0x1;
	s10 =	sld [smem:$0x3FBA];
	_ =	sdelay $0x3  }
0x37: {  	[smem:$0x3FBA] =	sst s10  }
0x38: {  	s10 =	sld [smem:$0x3FBB]  }
0x39: {  	_ = 	snop;
	(pc) =	sbr.ind lr, $3  }
0x3a: {  	_ = 	snop  }
0x3b: {  	_ = 	snop  }
0x3c: {  	p2 =	seq.s32 s10, $0x1;
	s10 =	sld [smem:$0x3FBA]  }
0x3d: {  	_ =	shalt  }
0x3e: {  	_ =	shalt  }
0x3f: {  	_ =	shalt  }
0x40: {  	_ =	shalt  }
0x41: {  	_ =	shalt  }
0x42: {  	_ =	shalt  }
0x43: {  	_ =	shalt  }
0x44: {  	_ =	shalt  }
0x45: {  	_ =	shalt  }
0x46: {  	_ =	shalt  }
0x47: {  	_ =	shalt  }
0x48: {  	_ =	shalt  }
0x49: {  	_ =	shalt  }
0x4a: {  	_ =	shalt  }
0x4b: {  	_ =	shalt  }
0x4c: {  	_ =	shalt  }
0x4d: {  	_ =	shalt  }
0x4e: {  	_ =	shalt  }
0x4f: {  	_ =	shalt  }
0x50: {  	_ =	shalt  }
0x51: {  	_ =	shalt  }
0x52: {  	_ =	shalt  }
0x53: {  	_ =	shalt  }
0x54: {  	_ =	shalt  }
0x55: {  	_ =	shalt  }
0x56: {  	_ =	shalt  }
0x57: {  	_ =	shalt  }
0x58: {  	_ =	shalt  }
0x59: {  	_ =	shalt  }
0x5a: {  	_ =	shalt  }
0x5b: {  	_ =	shalt  }
0x5c: {  	_ =	shalt  }
0x5d: {  	_ =	shalt  }
0x5e: {  	_ =	shalt  }
0x5f: {  	_ =	shalt  }
0x60: {  	_ =	shalt  }
0x61: {  	_ =	shalt  }
0x62: {  	_ =	shalt  }
0x63: {  	_ =	shalt  }
0x64: {  	_ =	shalt  }
0x65: {  	_ =	shalt  }
0x66: {  	_ =	shalt  }
0x67: {  	_ =	shalt  }
0x68: {  	_ =	shalt  }
0x69: {  	_ =	shalt  }
0x6a: {  	_ =	shalt  }
0x6b: {  	_ =	shalt  }
0x6c: {  	_ =	shalt  }
0x6d: {  	_ =	shalt  }
0x6e: {  	_ =	shalt  }
0x6f: {  	_ =	shalt  }
0x70: {  	_ =	shalt  }
0x71: {  	_ =	shalt  }
0x72: {  	_ =	shalt  }
0x73: {  	_ =	shalt  }
0x74: {  	_ =	shalt  }
0x75: {  	_ =	shalt  }
0x76: {  	_ =	shalt  }
0x77: {  	_ =	shalt  }
0x78: {  	_ =	shalt  }
0x79: {  	_ =	shalt  }
0x7a: {  	_ =	shalt  }
0x7b: {  	_ =	shalt  }
0x7c: {  	_ =	shalt  }
0x7d: {  	_ =	shalt  }
0x7e: {  	_ =	shalt  }
0x7f: {  	_ =	shalt  }
0x80: {  	_ =	shalt  }
0x81: {  	_ =	shalt  }
0x82: {  	_ =	shalt  }
0x83: {  	_ =	shalt  }
0x84: {  	_ =	shalt  }
0x85: {  	_ =	shalt  }
0x86: {  	_ =	shalt  }
0x87: {  	_ =	shalt  }
.Lfunc_end0:
.L_simem_size_0:
called_computation.2_lowered:
.L_overlay_start_0:
0x88: {  	s2 =	sld [smem:$0x3FD9]  }
0x89: {  	s3 =	sld [smem:$0x3FFE];
	_ =	sdelay $0x1  }
0x8a: {  	s1 =	srdreg.scid  }
0x8b: {  	s0 =	sand.u32 $0x1, s1  }
0x8c: {  	s14 =	sshll.u32 s0, $0xA;
	s2 =	sadd.s32 s3, s2  }
0x8d: {  	s2 =	sadd.s32 s2, s14  }
0x8e: {  	[smem:$0x3FC6] =	sst s2  }
0x8f: {  	_ = 	snop  }
0x90: {  	s2 =	sld [smem:$0x3FD0];
	_ =	sdelay $0x2  }
0x91: {  	s15 =	simm.s32 $0xA;
	s4 =	simm.s32 $0x10  }
0x92: {  	[smem:s4], [sflag:s15] =	dma.local [hbm:s2], $0x1  }
0x93: {  	_ =	swait.eq [sflag:s15], $0x1  }
0x94: {  	[sflag:s15] =	ssyncset.done $0x0  }
0x95: {  	[sflag:s15] =	ssyncadd.s32 $0xFFFFFFFF  }
0x96: {  	s16 =	sld [smem:$0x11];
	(tm) =	ssettm $0x1  }
0x97: {  	s17 =	sld [smem:$0x3FFB];
	_ =	sdelay $0x3  }
0x98: {  	_ =	strace s17  }
0x99: {  	s3 =	sld [smem:$0x3FFC];
	_ =	sdelay $0x3  }
0x9a: {  	_ =	strace s3  }
0x9b: {  	s3 =	sld [smem:$0x3FFD];
	_ =	sdelay $0x3  }
0x9c: {  	_ =	strace s3  }
0x9d: {  	_ =	strace $0x8FFFFFFF  }
0x9e: {  	s18 =	sld [smem:$0x3FDB];
	_ =	sdelay $0x1  }
0x9f: {  	s19 =	simm.s32 $_scs_section_size  }
0xa0: {  	s5 =	simm.s32 $_size__tile_overlayer_lowered;
	s6 =	simm.s32 $_tile_overlayer_lowered  }
0xa1: {  	s22 =	simm.s32 $0x1BFF;
	s21 =	sshll.u32 s6, $0x1;
	s3 =	sadd.s32 s19, s18  }
0xa2: {  	s7 =	simm.s32 $0x0;
	s20 =	sshll.u32 s5, $0x1;
	s5 =	sadd.s32 s21, s3  }
0xa3: {  	[timem:s7], [sflag:s22] =	dma.local [hbm:s5], s20  }
0xa4: {  	_ =	swait.ge [sflag:s22], s20  }
0xa5: {  	s4 =	ssub.s32 $0x0, s20;
	[sflag:s22] =	ssyncset.done $0x0  }
0xa6: {  	[sflag:s22] =	ssyncadd.s32 s4;
	_ =	sdelay $0x1  }
0xa7: {  	s23 =	simm.s32 $0x1B8B  }
0xa8: {  	_ =	swait.ge [sflag:s23], $0x1  }
0xa9: {  	[sflag:s23] =	ssyncset.done $0x0  }
0xaa: {  	s25 =	simm.s32 $0x1B8E;
	s24 =	sld [smem:$0x3FFE];
	[sflag:s23] =	ssyncadd.s32 $0xFFFFFFFF  }
0xab: {  	s26 =	simm.s32 $execute0_lowered;
	[smem:$0x3FD2] =	sst s25  }
0xac: {  	s5 =	sshll.u32 s26, $0x1;
	_ =	strace $0x80000049;
	[dreg:$0x1] =	wrdreg $0xFFFFFFFF  }
0xad: {  	s28 =	simm.s32 $_size_execute0_lowered;
	s3 =	sadd.s32 s3, s5;
	[dreg:$0x0] =	wrdreg $0x0  }
0xae: {  	s5 =	sshll.u32 s28, $0x1;
	[dreg:$0x2] =	wrdreg s3  }
0xaf: {  	[dreg:$0x3] =	wrdreg s5  }
0xb0: {  	[dreg:$0x4] =	wrdreg $0xC0  }
0xb1: {  	_ =	task [dreg:s7], $0x5FFFF  }
0xb2: {  	[dreg:$0x1] =	wrdreg $0xFFFFFFFF  }
0xb3: {  	[dreg:$0x0] =	wrdreg $0x60  }
0xb4: {  	[dreg:$0x2] =	wrdreg s16  }
0xb5: {  	[dreg:$0x3] =	wrdreg s24  }
0xb6: {  	[dreg:$0x4] =	wrdreg $0x9  }
0xb7: {  	_ =	task.clear_ibuf [dreg:s7], $0x5FFFF;
	_ =	strace $0x90000049  }
0xb8: {  	s29 =	simm.s32 $0x9;
	_ =	strace $0x8000004B  }
0xb9: {  	_ =	swait.ge [sflag:s29], $0x1  }
0xba: {  	[sflag:s29] =	ssyncadd.s32 $0xFFFFFFFF  }
0xbb: {  	_ =	strace $0x9000004B  }
0xbc: {  	_ =	sfence  }
0xbd: {  	s30 =	sld [smem:$0x0];
	_ =	sdelay $0x2  }
0xbe: {  	s31 =	sshll.u32 s1, $0xD;
	s1 =	sshrl.u32 s1, $0x2  }
0xbf: {  	s3 =	sand.u32 $0x4000, s31;
	s1 =	sadd.s32 s1, s30  }
0xc0: {  	s0 =	sor.u32 s3, s0;
	s1 =	sshll.u32 s1, $0x11  }
0xc1: {  	s0 =	sor.u32 s1, s0  }
0xc2: {  	s0 =	sadd.s32 $0x8F2B, s0  }
0xc3: {  	[sflag:s0] =	ssyncadd.remote.s32 $0x1  }
0xc4: {  	_ =	sfence.sel $0xFFFF  }
0xc5: {  	[dreg:$0x0] =	wrdreg $0xFFFFFFFF;
	(pc) =	sbr.abs _section_cstart, $3  }
0xc6: {  	[dreg:$0x1] =	wrdreg $0xFFFFFFFF  }
0xc7: {  	_ =	task.clear_ibuf [dreg:s7], $0x2FFFF;
	_ =	strace $0x9FFFFFFF  }
0xc8: {  	(tm) =	ssettm $0x7FFFFFFF  }
0xc9: {  	_ =	shalt  }
tec
execute0_lowered:
.L_overlay_start_1:
0x0: {  	(tag) =	ssettag $0x1  }
0x1: {  	s2 =	rddreg [dreg:$0x0]  }
0x2: {  	s5 =	rddreg [dreg:$0x1]  }
0x3: {  	s0 =	rddreg [dreg:$0x2];
	s1 =	stileid.u32;
	s3 =	simm.s32 $0x0  }
0x4: {  	s4 =	srdreg.scid;
	s12 =	simm.s32 $0x400;
	s13 =	simm.s32 $0x1  }
0x5: {  	s14 =	simm.s32 $0x4000;
	s15 =	simm.s32 $0x2;
	s16 =	simm.s32 $0x200  }
0x6: {  	s17 =	simm.s32 $0xA000;
	s18 =	simm.s32 $0x6000;
	s19 =	simm.s32 $0x0  }
0x7: {  	s6 =	sshll.u32 s1, $0x1;
	[smem:$0x7FF] =	sst s3;
	s7 =	sand.u32 $0x1, s4  }
0x8: {  	s4 =	sshrl.u32 s1, $0x2;
	s30 =	sand.u32 $0x6, s6;
	_ =	strace $0x8000004A  }
0x9: {  	s8 =	sshll.u32 s4, $0x4;
	s9 =	sor.u32 s7, s30;
	s7 =	ssub.s32 $0x2, s7  }
.Ltmp0:
0xa: {  	s8 =	sadd.s32 s8, s5;
	s31 =	sshll.u32 s9, $0x4;
	(pc) =	sbr.rel .LBB2_1-.Ltmp0, $4  }
0xb: {  	s10 =	sshrl.u32 s7, $0x1;
	s11 =	sshll.u32 s9, $0xD;
	s6 =	sadd.s32 s31, s5  }
0xc: {  	s5 =	sadd.s32 $0x6000, s5;
	s10 =	ssub.s32 s7, s10;
	s7 =	smul.u32 $0x90000, s9  }
0xd: {  	s8 =	sadd.s32 s11, s8;
	s9 =	smul.u32 $0x120000, s9;
	s11 =	simm.s32 $0x80  }
0xe: {  	s6 =	sadd.s32 $0x2000, s6;
	s8 =	sadd.s32 $0x412400, s8;
	s10 =	smax.u32 s10, $0x1  }
.LBB2_12:
0xf: {  	s19 =	sadd.s32 $0x1, s19  }
0x10: {  	p0 =	sne.s32 s19, s10  }
.Ltmp1:
0x11: {  	_ = 	snop;
	(pc) =	sbr.rel @!p0 .LBB2_13-.Ltmp1, $1  }
0x12: {  	_ =	sdelay $0x3  }
.LBB2_1:
.Ltmp2:
0x13: {  	(pc) =	sbr.rel .LBB2_2-.Ltmp2, $4  }
0x14: {  	[tilespmem:s3], [sflag:$0x1] =	stream.strided.gather [hbm4b:s6+s11], $0x4000, s12, s11, $0x38;
	[tilespmem:$0xE000] =	vst v63  }
0x15: {  	_ =	swait.ge [sflag:s13], $0x4000  }
0x16: {  	[sflag:s13] =	ssyncset.done $0x0  }
0x17: {  	s20 =	simm.s32 $0x0;
	[sflag:s13] =	ssyncadd.s32 $0xFFFFC000  }
.LBB2_6:
0x18: {  	v1 =	vld [tilespmem:s24+$0x0];
	_ =	sdelay $0x6  }
0x19: {  	[tilespmem:s23+$0x6000] =	vst v0  }
0x1a: {  	v0 =	vld.idx.msk [tilespmem:v1+s14+$0x0], $0xffff;
	_ =	sdelay $0x4  }
0x1b: {  	[tilespmem:s24+$0x6000] =	vst v0  }
.LBB2_10:
0x1c: {  	s21 =	sshll.u32 s21, $0x11  }
0x1d: {  	s21 =	sadd.s32 s9, s21  }
0x1e: {  	s21 =	sor.u32 s21, s22  }
0x1f: {  	s21 =	sshrl.u32 s21, $0x3  }
0x20: {  	s21 =	sadd.s32 s5, s21  }
0x21: {  	[hbm4b:s21+s11] =	stream.strided.scatter [tilespmem:s18], [sflag:$0x1], $0x4000, s12, s11, $0x38;
	[tilespmem:$0xE000] =	vst v63  }
0x22: {  	_ =	swait.ge [sflag:s13], $0x4000  }
0x23: {  	[sflag:s13] =	ssyncset.done $0x0  }
0x24: {  	[sflag:s13] =	ssyncadd.s32 $0xFFFFC000  }
.LBB2_11:
0x25: {  	s20 =	sadd.s32 $0x1, s20  }
0x26: {  	p0 =	sne.s32 s20, $0x11  }
.Ltmp3:
0x27: {  	_ = 	snop;
	(pc) =	sbr.rel @!p0 .LBB2_12-.Ltmp3, $1  }
0x28: {  	_ =	sdelay $0x3  }
.LBB2_2:
0x29: {  	s21 =	sshll.u32 s20, $0x2  }
0x2a: {  	s22 =	sor.u32 s4, s21  }
0x2b: {  	p0 =	sgt.u32 s22, $0x42  }
.Ltmp4:
0x2c: {  	_ = 	snop;
	(pc) =	sbr.rel @p0 .LBB2_11-.Ltmp4, $1  }
0x2d: {  	_ =	sdelay $0x3  }
0x2e: {  	s21 =	sshrl.u32 s20, $0x1  }
0x2f: {  	s22 =	sshll.u32 s22, $0x7;
	s23 =	sshll.u32 s21, $0x10  }
0x30: {  	s22 =	sand.u32 $0x380, s22;
	s23 =	sadd.s32 s7, s23  }
0x31: {  	s23 =	sor.u32 s23, s22  }
0x32: {  	p0 =	seq.s32 s20, $0x10;
	s23 =	sshrl.u32 s23, $0x3  }
.Ltmp5:
0x33: {  	s23 =	sadd.s32 s2, s23;
	(pc) =	sbr.rel @!p0 .LBB2_4-.Ltmp5, $4  }
0x34: {  	[tilespmem:s14], [sflag:$0x2] =	stream.strided.gather [hbm4b:s23+s11], $0x2000, s12, s11, $0x38;
	[tilespmem:$0xE000] =	vst v63  }
0x35: {  	_ =	swait.ge [sflag:s15], $0x2000  }
0x36: {  	[sflag:s15] =	ssyncset.done $0x0  }
0x37: {  	[sflag:s15] =	ssyncadd.s32 $0xFFFFE000  }
0x38: {  	[tilespmem:s17], [sflag:$0x2] =	stream.strided.gather [hbm4b:s8+s11], $0x4000, s16, s11, $0x38;
	[tilespmem:$0xE000] =	vst v63  }
0x39: {  	_ =	swait.ge [sflag:s15], $0x4000  }
0x3a: {  	[sflag:s15] =	ssyncset.done $0x0  }
0x3b: {  	s23 =	simm.s32 $0x0;
	[sflag:s15] =	ssyncadd.s32 $0xFFFFC000  }
0x3c: {  	v1 =	vld [tilespmem:s23+$0x0];
	_ =	sdelay $0x6  }
0x3d: {  	v0 =	vld [tilespmem:s23+$0xA000]  }
0x3e: {  	s24 =	simm.s32 $0x10;
	s25 =	simm.s32 $0x80;
	v1 =	vld.idx.msk [tilespmem:v1+s14+$0x0], $0xffff  }
.LBB2_8:
0x3f: {  	p0 =	sne.s32 s25, $0xFFC0;
	v2 =	vld [tilespmem:s24+$0x0];
	_ =	sdelay $0x3  }
.Ltmp6:
0x40: {  	(pc) =	sbr.rel @p0 .LBB2_8-.Ltmp6, $3  }
0x41: {  	v1 =	vsub.f32 v1, v0;
	_ =	sdelay $0x1  }
0x42: {  	v0 =	vld [tilespmem:s24+$0xA000];
	[tilespmem:s23+$0x6000] =	vst v1;
	s23 =	smov.u32 s24  }
0x43: {  	s24 =	sshra.s32 s25, $0x2;
	s25 =	sadd.s32 $0x40, s25;
	v1 =	vld.idx.msk [tilespmem:v2+s14+$0x0], $0xffff  }
0x44: {  	v2 =	vld [tilespmem:s24+$0x0];
	_ =	sdelay $0x4  }
0x45: {  	v0 =	vsub.f32 v1, v0;
	_ =	sdelay $0x1  }
0x46: {  	v63 =	vld [tilespmem:s24+$0xA000];
	[tilespmem:s23+$0x6000] =	vst v0  }
0x47: {  	v0 =	vld.idx.msk [tilespmem:v2+s14+$0x0], $0xffff;
	_ =	sdelay $0x2  }
.Ltmp7:
0x48: {  	_ = 	snop;
	(pc) =	sbr.rel .LBB2_10-.Ltmp7, $3  }
0x49: {  	_ = 	snop  }
0x4a: {  	v0 =	vsub.f32 v0, v63;
	_ =	sdelay $0x1  }
0x4b: {  	[tilespmem:s24+$0x6000] =	vst v0  }
.LBB2_4:
0x4c: {  	s23 =	simm.s32 $0x0  }
0x4d: {  	v0 =	vld [tilespmem:s23+$0x0];
	_ =	sdelay $0x7  }
0x4e: {  	s24 =	simm.s32 $0x10;
	s25 =	simm.s32 $0x80;
	v0 =	vld.idx.msk [tilespmem:v0+s14+$0x0], $0xffff  }
.LBB2_5:
0x4f: {  	p0 =	seq.s32 s25, $0xFFC0;
	v1 =	vld [tilespmem:s24+$0x0];
	_ =	sdelay $0x3  }
.Ltmp8:
0x50: {  	(pc) =	sbr.rel @!p0 .LBB2_5-.Ltmp8, $2  }
0x51: {  	[tilespmem:s23+$0x6000] =	vst v0;
	s23 =	smov.u32 s24;
	_ =	sdelay $0x2  }
0x52: {  	s24 =	sshra.s32 s25, $0x2;
	s25 =	sadd.s32 $0x40, s25;
	v0 =	vld.idx.msk [tilespmem:v1+s14+$0x0], $0xffff  }
.Ltmp9:
0x53: {  	_ = 	snop;
	(pc) =	sbr.rel .LBB2_6-.Ltmp9, $1  }
0x54: {  	_ =	sdelay $0x3  }
.LBB2_13:
0x55: {  	_ =	sfence.sel $0x180000  }
0x56: {  	[bflag:$0x0] =	sbarrier.arrive $0xFFFF  }
0x57: {  	p0 =	sne.s32 s1, $0x0;
	_ =	strace $0x9000004A  }
0x58: {  	s0 =	sadd.s32 @!p0 $0x100000, s0;
	[bflag:$0x2] =	sbarrier.arrive $0xFFFF  }
0x59: {  	[sflag:s0] =	ssyncadd.tile.s32 @!p0 $0x1;
	_ =	shalt  }
.Lfunc_end2:
_tile_overlayer_lowered:
.L_overlay_start_2:
0x5a: {  	(tag) =	ssettag $0x2  }
0x5b: {  	s0 =	rddreg [dreg:$0x0];
	s2 =	stileid.u32  }
0x5c: {  	s1 =	rddreg [dreg:$0x1];
	p0 =	sne.s32 s2, $0x0  }
0x5d: {  	s3 =	rddreg [dreg:$0x2];
	[bflag:$0x3] =	sbarrier.arrive $0xFFFF;
	s2 =	simm.s32 @!p0 $0x1C01  }
0x5e: {  	[timem:s3], [sflag:s2] =	dma.local @!p0 [hbm:s0], s1  }
0x5f: {  	s0 =	simm.s32 @!p0 $0x1  }
0x60: {  	_ =	swait.ge @!p0 [sflag:s0], s1  }
0x61: {  	s1 =	ssub.s32 @!p0 $0x0, s1;
	[sflag:s0] =	ssyncset.done @!p0 $0x0  }
0x62: {  	[sflag:s0] =	ssyncadd.s32 @!p0 s1  }
0x63: {  	[bflag:$0x3] =	sbarrier.arrive $0xFFFF  }
0x64: {  	_ =	shalt  }

// kernel: sparse-core-data-format-call.cloned.1.call-start
scs
called_computation_lowered:
.L_overlay_start_0:
0x0: {  	s2 =	sld [smem:$0x3FD9]  }
0x1: {  	s3 =	sld [smem:$0x3FFE];
	_ =	sdelay $0x1  }
0x2: {  	s1 =	srdreg.scid  }
0x3: {  	s0 =	sand.u32 $0x1, s1  }
0x4: {  	s15 =	sshll.u32 s0, $0xA;
	s2 =	sadd.s32 s3, s2  }
0x5: {  	s2 =	sadd.s32 s2, s15  }
0x6: {  	[smem:$0x3FC6] =	sst s2  }
0x7: {  	_ = 	snop  }
0x8: {  	s2 =	sld [smem:$0x3FD0];
	_ =	sdelay $0x2  }
0x9: {  	s16 =	simm.s32 $0xA;
	s4 =	simm.s32 $0x10  }
0xa: {  	[smem:s4], [sflag:s16] =	dma.local [hbm:s2], $0x1  }
0xb: {  	_ =	swait.eq [sflag:s16], $0x1  }
0xc: {  	[sflag:s16] =	ssyncset.done $0x0  }
0xd: {  	[sflag:s16] =	ssyncadd.s32 $0xFFFFFFFF  }
0xe: {  	s17 =	sld [smem:$0x11];
	(tm) =	ssettm $0x1  }
0xf: {  	s18 =	sld [smem:$0x3FFB];
	_ =	sdelay $0x3  }
0x10: {  	_ =	strace s18  }
0x11: {  	s3 =	sld [smem:$0x3FFC];
	_ =	sdelay $0x3  }
0x12: {  	_ =	strace s3  }
0x13: {  	s3 =	sld [smem:$0x3FFD];
	_ =	sdelay $0x3  }
0x14: {  	_ =	strace s3  }
0x15: {  	_ =	strace $0x8FFFFFFF  }
0x16: {  	s19 =	sld [smem:$0x3FDB];
	_ =	sdelay $0x1  }
0x17: {  	s20 =	simm.s32 $_scs_section_size  }
0x18: {  	s5 =	simm.s32 $_size__tile_overlayer_lowered;
	s6 =	simm.s32 $_tile_overlayer_lowered  }
0x19: {  	s23 =	simm.s32 $0x1BFF;
	s22 =	sshll.u32 s6, $0x1;
	s3 =	sadd.s32 s20, s19  }
0x1a: {  	s7 =	simm.s32 $0x0;
	s21 =	sshll.u32 s5, $0x1;
	s5 =	sadd.s32 s22, s3  }
0x1b: {  	[timem:s7], [sflag:s23] =	dma.local [hbm:s5], s21  }
0x1c: {  	_ =	swait.ge [sflag:s23], s21  }
0x1d: {  	s4 =	ssub.s32 $0x0, s21;
	[sflag:s23] =	ssyncset.done $0x0  }
0x1e: {  	[sflag:s23] =	ssyncadd.s32 s4;
	_ =	sdelay $0x1  }
0x1f: {  	s24 =	simm.s32 $0x1B8B  }
0x20: {  	_ =	swait.ge [sflag:s24], $0x1  }
0x21: {  	[sflag:s24] =	ssyncset.done $0x0  }
0x22: {  	s26 =	simm.s32 $0x1B8E;
	s25 =	sld [smem:$0x3FFE];
	[sflag:s24] =	ssyncadd.s32 $0xFFFFFFFF  }
0x23: {  	s27 =	simm.s32 $execute0_lowered;
	[smem:$0x3FD2] =	sst s26  }
0x24: {  	s5 =	sshll.u32 s27, $0x1;
	_ =	strace $0x8000004C;
	[dreg:$0x1] =	wrdreg $0xFFFFFFFF  }
0x25: {  	s28 =	simm.s32 $_size_execute0_lowered;
	s3 =	sadd.s32 s3, s5;
	[dreg:$0x0] =	wrdreg $0x0  }
0x26: {  	s5 =	sshll.u32 s28, $0x1;
	[dreg:$0x2] =	wrdreg s3  }
0x27: {  	[dreg:$0x3] =	wrdreg s5  }
0x28: {  	[dreg:$0x4] =	wrdreg $0xC0  }
0x29: {  	_ =	task [dreg:s7], $0x5FFFF  }
0x2a: {  	[dreg:$0x1] =	wrdreg $0xFFFFFFFF  }
0x2b: {  	[dreg:$0x0] =	wrdreg $0x60  }
0x2c: {  	[dreg:$0x2] =	wrdreg s25  }
0x2d: {  	[dreg:$0x3] =	wrdreg s17  }
0x2e: {  	[dreg:$0x4] =	wrdreg $0x9  }
0x2f: {  	_ =	task.clear_ibuf [dreg:s7], $0x5FFFF;
	_ =	strace $0x9000004C  }
0x30: {  	s29 =	simm.s32 $0x9;
	_ =	strace $0x8000004E  }
0x31: {  	_ =	swait.ge [sflag:s29], $0x1  }
0x32: {  	[sflag:s29] =	ssyncadd.s32 $0xFFFFFFFF  }
0x33: {  	_ =	strace $0x9000004E  }
0x34: {  	_ =	sfence  }
0x35: {  	s30 =	sld [smem:$0x0];
	_ =	sdelay $0x2  }
0x36: {  	s31 =	sshll.u32 s1, $0xD;
	s1 =	sshrl.u32 s1, $0x2  }
0x37: {  	s3 =	sand.u32 $0x4000, s31;
	s1 =	sadd.s32 s1, s30  }
0x38: {  	s0 =	sor.u32 s3, s0;
	s1 =	sshll.u32 s1, $0x11  }
0x39: {  	s0 =	sor.u32 s1, s0  }
0x3a: {  	s0 =	sadd.s32 $0x8F2B, s0  }
0x3b: {  	[sflag:s0] =	ssyncadd.remote.s32 $0x1  }
0x3c: {  	_ =	sfence.sel $0xFFFF  }
0x3d: {  	[dreg:$0x0] =	wrdreg $0xFFFFFFFF;
	(pc) =	sbr.abs _section_cstart, $3  }
0x3e: {  	[dreg:$0x1] =	wrdreg $0xFFFFFFFF  }
0x3f: {  	_ =	task.clear_ibuf [dreg:s7], $0x2FFFF;
	_ =	strace $0x9FFFFFFF  }
0x40: {  	(tm) =	ssettm $0x7FFFFFFF  }
0x41: {  	_ =	shalt  }
tec
execute0_lowered:
.L_overlay_start_1:
0x0: {  	(tag) =	ssettag $0x1  }
0x1: {  	s0 =	stileid.u32;
	s4 =	rddreg [dreg:$0x0]  }
0x2: {  	s1 =	srdreg.scid;
	s3 =	rddreg [dreg:$0x1];
	s7 =	simm.s32 $0x1  }
0x3: {  	s31 =	simm.s32 $0x2;
	s17 =	simm.s32 $0x0;
	s9 =	simm.s32 $0x4000  }
0x4: {  	s18 =	simm.s32 $0x0;
	s2 =	sshll.u32 s0, $0x4;
	s1 =	sshll.u32 s1, $0x8  }
0x5: {  	s19 =	simm.s32 $0x0;
	s10 =	simm.s32 $0x0;
	s1 =	sor.u32 s2, s1  }
0x6: {  	s11 =	simm.s32 $0x0;
	s12 =	simm.s32 $0x0;
	s2 =	sand.u32 $0x180, s1  }
0x7: {  	s13 =	simm.s32 $0x0;
	s16 =	simm.s32 $0x0;
	s5 =	ssub.s32 $0x200, s2  }
0x8: {  	s4 =	sadd.s32 $0x126000, s4;
	s1 =	rddreg [dreg:$0x2];
	s6 =	sand.u32 $0x180, s5  }
.Ltmp0:
0x9: {  	_ =	strace $0x8000004D;
	p0 =	sne.s32 s6, $0x0;
	(pc) =	sbr.rel .LBB1_1-.Ltmp0, $4  }
0xa: {  	s14 =	smov.u32 s2;
	s8 =	sshrl.u32 s5, $0x9;
	s7 =	simm.s32 @!p0 $0x0  }
0xb: {  	s5 =	sand.u32 $0x7, s0;
	s6 =	simm.s32 $0x1;
	s7 =	sadd.s32 s7, s8  }
0xc: {  	s15 =	smov.u32 s5;
	[sflag:s6] =	ssyncpa.u1 $0x0;
	s7 =	sshll.u32 s7, $0x5  }
0xd: {  	p0 =	por $0x0, $0x0;
	[sflag:s31] =	ssyncpa.u1 $0x0;
	s8 =	sor.u32 $0x1, s7  }
.LBB1_4:
0xe: {  	s25 =	sshll.u32 s10, $0x9;
	s26 =	sshll.u32 s11, $0x3;
	s24 =	sshra.s32 s24, $0x2  }
0xf: {  	p1 =	sgt.s32 s12, $0x7;
	s27 =	smov.u32 s12;
	s28 =	sshra.s32 s12, $0x1F  }
0x10: {  	p2 =	sgt.s32 s11, $0x180;
	s30 =	sshra.s32 s11, $0x1F;
	s25 =	sand.u32 $0x3000, s25  }
0x11: {  	s26 =	sand.u32 $0x3C00, s26;
	s27 =	simm.s32 @!p1 $0x7;
	s28 =	sand.u32 s28, s12  }
0x12: {  	s23 =	sadd.s32 s24, s23;
	s25 =	sadd.s32 s26, s25;
	s26 =	sshll.u32 s10, $0x7  }
0x13: {  	s31 =	sand.u32 s30, s11;
	s30 =	sshra.s32 s10, $0x1F;
	s29 =	sand.u32 $0x200, s26  }
0x14: {  	v5 =	vld [tilespmem:s21+$0xFFFFFFD0];
	s26 =	sand.u32 $0x180, s26;
	s24 =	sor.u32 s29, s25;
	s25 =	ssub.s32 s27, s28  }
0x15: {  	[tilespmem:s22+$0x2040 ss:$0x81] =	vst.msk $0xffff, v4;
	v58 =	vld [tilespmem:s21+$0xFFFFFFE0];
	s28 =	smov.u32 s11;
	s29 =	smov.u32 s10;
	s27 =	sadd.s32 $0xFFFFFFF9, s25  }
0x16: {  	[tilespmem:s22+$0x2850 ss:$0x81] =	vst.msk $0xffff, v3;
	v59 =	vld [tilespmem:s21+$0xFFFFFFF0];
	s28 =	simm.s32 @!p2 $0x180;
	p2 =	sgt.s32 s10, $0x1F;
	s25 =	ssub.s32 $0x8, s25  }
0x17: {  	[tilespmem:s22+$0x3060 ss:$0x81] =	vst.msk $0xffff, v2;
	v60 =	vld [tilespmem:s21+$0x0];
	p1 =	sgt.s32 s27, $0x0;
	s27 =	ssub.s32 s28, s31;
	s29 =	simm.s32 @!p2 $0x1F  }
0x18: {  	[tilespmem:s22+$0x0 ss:$0x81] =	vst.msk $0xffff, v1;
	v61 =	vld [tilespmem:s21+$0x10];
	s28 =	sand.u32 s30, s10;
	s22 =	smul.u32 $0x43, s25;
	s30 =	sand.u32 $0x78, s11  }
0x19: {  	v62 =	vld [tilespmem:s21+$0x20];
	[tilespmem:s23+$0x3870 ss:$0x81] =	vst.msk $0xffff, v0;
	s25 =	ssub.s32 s29, s28;
	s31 =	sadd.s32 $0xFFFFFE80, s27;
	s27 =	ssub.s32 $0x200, s27  }
0x1a: {  	v63 =	vld [tilespmem:s21+$0xFFFFFFC0];
	[tilespmem:s23+$0x810 ss:$0x81] =	vst.msk $0xffff, v5;
	s21 =	sor.u32 s30, s26;
	p2 =	sgt.s32 s31, $0x7F;
	s29 =	sadd.s32 $0xFFFFFFE1, s25  }
0x1b: {  	[tilespmem:s23+$0x1020 ss:$0x81] =	vst.msk $0xffff, v58;
	s22 =	simm.s32 @p1 $0x0;
	s31 =	smul.u32 $0x21800, s12;
	s27 =	simm.s32 @p2 $0x0  }
0x1c: {  	[tilespmem:s23+$0x1830 ss:$0x81] =	vst.msk $0xffff, v59;
	s25 =	ssub.s32 $0x20, s25;
	p3 =	sgt.s32 s29, $0x0;
	s22 =	smul.u32 s22, s27  }
0x1d: {  	[tilespmem:s23+$0x2040 ss:$0x81] =	vst.msk $0xffff, v60;
	s24 =	sshrl.u32 s24, $0x3;
	s21 =	sshrl.u32 s21, $0x3;
	s25 =	simm.s32 @p3 $0x0  }
0x1e: {  	[tilespmem:s23+$0x2850 ss:$0x81] =	vst.msk $0xffff, v61;
	s29 =	sand.u32 $0x7, s11;
	s28 =	sadd.s32 s3, s31;
	s22 =	smul.u32 s25, s22  }
0x1f: {  	[tilespmem:s23+$0x3060 ss:$0x81] =	vst.msk $0xffff, v62;
	s24 =	sand.u32 $0x7C0, s24;
	s30 =	sshll.u32 s29, $0x12;
	s21 =	sadd.s32 s21, s28  }
0x20: {  	[tilespmem:s23+$0x0 ss:$0x81] =	vst.msk $0xffff, v63;
	s31 =	sor.u32 $0x80, s30;
	s21 =	sadd.s32 s24, s21;
	s22 =	sand.u32 $0x3FFFFFFF, s22  }
0x21: {  	[hbm4b:s21+s31] =	stream.strided.scatter [tilespmem:s20], [sflag:$0x2], s22, s9, s31, $0x20;
	[tilespmem:$0x10100] =	vst v63  }
.LBB1_5:
0x22: {  	p1 =	slt.u32 s16, $0x2  }
0x23: {  	p2 =	sgt.s32 @!p1 s19, $0x7  }
0x24: {  	s20 =	smov.u32 s19;
	s21 =	sshra.s32 @!p1 s19, $0x1F;
	p2 =	por !p2, p1  }
0x25: {  	p3 =	sgt.s32 @!p1 s18, $0x180;
	s19 =	sand.u32 @!p1 s21, s19;
	s20 =	simm.s32 @p2 $0x7  }
0x26: {  	p3 =	por !p3, p1;
	s19 =	ssub.s32 @!p1 s20, s19  }
0x27: {  	s21 =	sshra.s32 @!p1 s18, $0x1F;
	s20 =	sadd.s32 @!p1 $0xFFFFFFF9, s19;
	s19 =	ssub.s32 @!p1 $0x8, s19  }
0x28: {  	p2 =	sgt.s32 @!p1 s20, $0x0;
	s19 =	smul.u32 @!p1 $0x43, s19;
	s20 =	smov.u32 s18  }
0x29: {  	s18 =	sand.u32 @!p1 s21, s18;
	s20 =	simm.s32 @p3 $0x180;
	p3 =	sgt.s32 @!p1 s17, $0x1F  }
0x2a: {  	s21 =	smov.u32 s17;
	p2 =	por !p2, p1;
	p3 =	por !p3, p1  }
0x2b: {  	s18 =	ssub.s32 @!p1 s20, s18;
	s20 =	sshra.s32 @!p1 s17, $0x1F;
	s19 =	simm.s32 @!p2 $0x0  }
0x2c: {  	s21 =	simm.s32 @p3 $0x1F;
	s17 =	sand.u32 @!p1 s20, s17;
	s20 =	sadd.s32 @!p1 $0xFFFFFE80, s18  }
0x2d: {  	s18 =	ssub.s32 @!p1 $0x200, s18;
	s17 =	ssub.s32 @!p1 s21, s17;
	p2 =	sgt.s32 @!p1 s20, $0x7F  }
0x2e: {  	s21 =	smov.u32 s14;
	s20 =	sadd.s32 @!p1 $0xFFFFFFE1, s17;
	p2 =	por !p2, p1  }
0x2f: {  	s17 =	ssub.s32 @!p1 $0x20, s17;
	p3 =	sgt.s32 @!p1 s20, $0x0;
	s18 =	simm.s32 @!p2 $0x0  }
0x30: {  	s20 =	sadd.s32 $0x1, s13;
	p2 =	por !p3, p1;
	s18 =	smul.u32 @!p1 s19, s18  }
0x31: {  	s19 =	sadd.s32 $0x200, s14;
	s17 =	simm.s32 @!p2 $0x0;
	p2 =	sgt.s32 s20, $0x1F  }
0x32: {  	s22 =	smov.u32 s15;
	s21 =	smov.u32 @p2 s19  }
0x33: {  	s17 =	smul.u32 @!p1 s17, s18;
	s18 =	sadd.s32 $0x8, s15;
	p3 =	sgt.s32 s21, $0x1FF  }
0x34: {  	p0 =	por !p0, !p0;
	s23 =	simm.s32 @!p1 $0x2;
	s22 =	smov.u32 @p3 s18  }
0x35: {  	s20 =	simm.s32 @p2 $0x0;
	s19 =	smov.u32 s12;
	p2 =	sgt.s32 s22, $0x7  }
0x36: {  	s12 =	smov.u32 s15;
	s22 =	smov.u32 @p2 s5;
	p2 =	sne.s32 s16, s8  }
.Ltmp1:
0x37: {  	s17 =	sand.u32 @!p1 $0x3FFFFFFF, s17;
	s21 =	smov.u32 @p3 s2;
	(pc) =	sbr.rel @!p2 .LBB1_6-.Ltmp1, $4  }
0x38: {  	s18 =	smov.u32 s11;
	s11 =	smov.u32 s14;
	_ =	swait.ge @!p1 [sflag:s23], s17  }
0x39: {  	s24 =	ssub.s32 @!p1 $0x0, s17;
	s17 =	smov.u32 s10;
	s10 =	smov.u32 s13  }
0x3a: {  	s13 =	smov.u32 s20;
	s14 =	smov.u32 s21;
	[sflag:s23] =	ssyncset.done @!p1 $0x0  }
0x3b: {  	s16 =	sadd.s32 $0x1, s16;
	[sflag:s23] =	ssyncadd.s32 @!p1 s24;
	s15 =	smov.u32 s22  }
.LBB1_1:
0x3c: {  	p1 =	sge.u32 s16, s7;
	s31 =	sadd.s32 $0xFFFFFFFF, s16  }
0x3d: {  	s20 =	sxor.u32 @!p1 $0xFFFFFFFF, s16;
	s21 =	sshll.u32 @!p1 s15, $0x12;
	s22 =	sshll.u32 @!p1 s14, $0x9  }
0x3e: {  	s23 =	sshll.u32 @!p1 s13, $0x4;
	s20 =	sshll.u32 @!p1 s20, $0xE;
	s21 =	sadd.s32 @!p1 s4, s21  }
0x3f: {  	s23 =	sand.u32 @!p1 $0x1F0, s23;
	s20 =	sand.u32 @!p1 $0x4000, s20;
	s21 =	sadd.s32 @!p1 s22, s21  }
0x40: {  	s22 =	simm.s32 @!p1 $0x80;
	s21 =	sadd.s32 @!p1 s23, s21;
	s23 =	simm.s32 @!p1 $0x1000  }
0x41: {  	[tilespmem:s20], [sflag:$0x1] =	stream.strided.gather @!p1 [hbm4b:s21+s22], $0x4000, s23, s22, $0x38;
	[tilespmem:$0x10100] =	vst v63  }
0x42: {  	p1 =	sge.u32 s31, s7  }
.Ltmp2:
0x43: {  	_ = 	snop;
	(pc) =	sbr.rel @p1 .LBB1_5-.Ltmp2, $1  }
0x44: {  	_ =	sdelay $0x3  }
0x45: {  	s20 =	simm.s32 $0x1  }
0x46: {  	_ =	swait.ge [sflag:s6], $0x4000;
	s20 =	simm.s32 @!p0 $0x0  }
0x47: {  	[sflag:s6] =	ssyncset.done $0x0;
	s21 =	sshll.u32 s20, $0xE  }
0x48: {  	[sflag:s6] =	ssyncadd.s32 $0xFFFFC000;
	s21 =	sor.u32 $0x40, s21  }
0x49: {  	s20 =	smul.u32 $0x10200, s20;
	v0 =	vld [tilespmem:s21+$0x30]  }
0x4a: {  	v1 =	vld [tilespmem:s21+$0xFFFFFFD0]  }
0x4b: {  	s20 =	sshrl.u32 s20, $0x2;
	v5 =	vld [tilespmem:s21+$0xFFFFFFE0]  }
0x4c: {  	v6 =	vld [tilespmem:s21+$0xFFFFFFF0];
	s23 =	sor.u32 $0x8000, s20  }
0x4d: {  	s31 =	sand.u32 $0x1, s16;
	v4 =	vld [tilespmem:s21+$0x0];
	s22 =	sadd.s32 $0x0, s23  }
0x4e: {  	v3 =	vld [tilespmem:s21+$0x10];
	s20 =	smul.u32 $0x10200, s31;
	[tilespmem:s22+$0x3870 ss:$0x81] =	vst.msk $0xffff, v0  }
0x4f: {  	v2 =	vld [tilespmem:s21+$0x20];
	[tilespmem:s22+$0x810 ss:$0x81] =	vst.msk $0xffff, v1  }
0x50: {  	s20 =	sshrl.u32 s20, $0x2;
	v1 =	vld [tilespmem:s21+$0xFFFFFFC0];
	[tilespmem:s22+$0x1020 ss:$0x81] =	vst.msk $0xffff, v5;
	s21 =	sadd.s32 $0x80, s21  }
0x51: {  	s24 =	simm.s32 $0x4;
	s25 =	simm.s32 $0x8;
	s20 =	sor.u32 $0x8000, s20;
	[tilespmem:s22+$0x1830 ss:$0x81] =	vst.msk $0xffff, v6;
	v0 =	vld [tilespmem:s21+$0x30]  }
.LBB1_3:
0x52: {  	p1 =	sne.s32 s25, $0x1FC;
	v5 =	vld [tilespmem:s21+$0xFFFFFFD0];
	[tilespmem:s22+$0x2040 ss:$0x81] =	vst.msk $0xffff, v4  }
0x53: {  	v6 =	vld [tilespmem:s21+$0xFFFFFFE0];
	[tilespmem:s22+$0x2850 ss:$0x81] =	vst.msk $0xffff, v3  }
0x54: {  	s26 =	sshra.s32 s24, $0x2;
	s24 =	smov.u32 s25;
	v7 =	vld [tilespmem:s21+$0xFFFFFFF0];
	[tilespmem:s22+$0x3060 ss:$0x81] =	vst.msk $0xffff, v2  }
.Ltmp3:
0x55: {  	v4 =	vld [tilespmem:s21+$0x0];
	[tilespmem:s22+$0x0 ss:$0x81] =	vst.msk $0xffff, v1;
	s22 =	sadd.s32 s26, s23;
	(pc) =	sbr.rel @p1 .LBB1_3-.Ltmp3, $4  }
0x56: {  	v3 =	vld [tilespmem:s21+$0x10];
	[tilespmem:s22+$0x3870 ss:$0x81] =	vst.msk $0xffff, v0  }
0x57: {  	[tilespmem:s22+$0x810 ss:$0x81] =	vst.msk $0xffff, v5;
	v2 =	vld [tilespmem:s21+$0x20]  }
0x58: {  	v1 =	vld [tilespmem:s21+$0xFFFFFFC0];
	[tilespmem:s22+$0x1020 ss:$0x81] =	vst.msk $0xffff, v6;
	s21 =	sadd.s32 $0x80, s21  }
0x59: {  	s25 =	sadd.s32 $0x4, s25;
	v0 =	vld [tilespmem:s21+$0x30];
	[tilespmem:s22+$0x1830 ss:$0x81] =	vst.msk $0xffff, v7  }
.Ltmp4:
0x5a: {  	_ = 	snop;
	(pc) =	sbr.rel .LBB1_4-.Ltmp4, $1  }
0x5b: {  	_ =	sdelay $0x3  }
.LBB1_6:
0x5c: {  	_ =	sfence.sel $0x180000  }
0x5d: {  	s2 =	simm.s32 $0x1;
	[bflag:$0x0] =	sbarrier.arrive $0xFFFF  }
0x5e: {  	s31 =	simm.s32 $0x2;
	[sflag:s2] =	ssyncpa.u1 $0x1  }
0x5f: {  	[sflag:s31] =	ssyncpa.u1 $0x1  }
0x60: {  	p0 =	sne.s32 s0, $0x0;
	_ =	strace $0x9000004D  }
0x61: {  	s0 =	sadd.s32 @!p0 $0x100000, s1;
	[bflag:$0x2] =	sbarrier.arrive $0xFFFF  }
0x62: {  	[sflag:s0] =	ssyncadd.tile.s32 @!p0 $0x1;
	_ =	shalt  }
.Lfunc_end1:
_tile_overlayer_lowered:
.L_overlay_start_2:
0x63: {  	(tag) =	ssettag $0x2  }
0x64: {  	s0 =	rddreg [dreg:$0x0];
	s2 =	stileid.u32  }
0x65: {  	s1 =	rddreg [dreg:$0x1];
	p0 =	sne.s32 s2, $0x0  }
0x66: {  	s3 =	rddreg [dreg:$0x2];
	[bflag:$0x3] =	sbarrier.arrive $0xFFFF;
	s2 =	simm.s32 @!p0 $0x1C01  }
0x67: {  	[timem:s3], [sflag:s2] =	dma.local @!p0 [hbm:s0], s1  }
0x68: {  	s0 =	simm.s32 @!p0 $0x1  }
0x69: {  	_ =	swait.ge @!p0 [sflag:s0], s1  }
0x6a: {  	s1 =	ssub.s32 @!p0 $0x0, s1;
	[sflag:s0] =	ssyncset.done @!p0 $0x0  }
0x6b: {  	[sflag:s0] =	ssyncadd.s32 @!p0 s1  }
0x6c: {  	[bflag:$0x3] =	sbarrier.arrive $0xFFFF  }
0x6d: {  	_ =	shalt  }

</sc_bundles>
